<compile_context>
chip_gen: v7x
topology: tpu7x:2x2x1
jax: 0.10.2.dev20260603
libtpu: 0.0.44.dev20260713+nightly
codegen_flags: <defaults>
</compile_context>

<pallas_src>
import jax
import jax.numpy as jnp
from jax import lax
from jax.experimental import pallas as pl
from jax.experimental.pallas import tpu as pltpu
from jax.experimental.pallas import tpu_sc as plsc

_NUM_FREQ = 6
_NUM_RAW = 16384
_SEG = 2048
_NUM_VIDS = 8
_TCH = 1 + 2 * _NUM_FREQ
_K = 16
_D = 128
_B = 262144
_NC, _NS = 2, 16
_NW = _NC * _NS
_BPW = _B // _NW
_CH = 128
_NCHUNK = _BPW // _CH


def _table_body(wext_ref, inst_ref, out_ref, acc_ref):
    i = pl.program_id(0)

    @pl.when(i == 0)
    def _compute():
        r = lax.broadcasted_iota(jnp.int32, (1, _SEG), 1).astype(jnp.float32)
        t = (r / float(_SEG - 1)) * 2.0 - 1.0
        ri = lax.broadcasted_iota(jnp.int32, (_K, _SEG), 0)
        ci = lax.broadcasted_iota(jnp.int32, (_K, 1), 0)
        kexp = jnp.maximum(lax.shift_right_arithmetic(ci - 1, 1), 0)
        freqs = lax.shift_left(1, kexp).astype(jnp.float32)
        sig = t * freqs
        feats = jnp.where((ri & 1) == 1, jnp.sin(sig), jnp.cos(sig))
        feats = jnp.where(ri == 0, t, feats)
        feats = jnp.where(ri == _TCH, 1.0, feats)
        feats = jnp.where(ri > _TCH, 0.0, feats)
        acc_ref[...] = lax.dot_general(
            feats, wext_ref[...],
            dimension_numbers=(((0,), (1,)), ((), ())),
            preferred_element_type=jnp.float32,
            precision=lax.Precision.HIGHEST,
        )

    out_ref[...] = acc_ref[...] + inst_ref[0]


_NB = 6
_LA = 3
_STEADY_LO = _LA + (_NCHUNK - 2 * _LA) % _NB


def _gather_body(table_hbm, idx_hbm, out_hbm, idx_v, *rest):
    bufs, gsems, osems = rest[:_NB], rest[_NB:2 * _NB], rest[2 * _NB:]
    wid = lax.axis_index("s") * _NC + lax.axis_index("c")
    base = wid * _BPW
    pltpu.sync_copy(idx_hbm.at[wid], idx_v)

    def start_gather(jj, b):
        pltpu.async_copy(table_hbm.at[idx_v.at[jj]], bufs[b], gsems[b])

    def wait_gather(b):
        pltpu.make_async_copy(table_hbm.at[idx_v.at[0]], bufs[b], gsems[b]).wait()

    def start_out(jj, b):
        pltpu.async_copy(bufs[b], out_hbm.at[pl.ds(base + jj * _CH, _CH)], osems[b])

    def wait_out(b):
        pltpu.make_async_copy(bufs[b], out_hbm.at[pl.ds(base, _CH)], osems[b]).wait()

    def full_visit(jj, b):
        wait_gather(b)
        start_out(jj, b)
        s = (b + _LA) % _NB
        wait_out(s)
        start_gather(jj + _LA, s)

    for jj in range(_LA):
        start_gather(jj, jj)
    for jj in range(_LA):
        wait_gather(jj)
        start_out(jj, jj)
        start_gather(jj + _LA, jj + _LA)
    for jj in range(_LA, _STEADY_LO):
        full_visit(jj, jj % _NB)

    @pl.loop(_STEADY_LO, _NCHUNK - _LA, step=_NB)
    def _steady(j):
        for u in range(_NB):
            full_visit(j + u, (_STEADY_LO + u) % _NB)

    for jj in range(_NCHUNK - _LA, _NCHUNK):
        wait_gather(jj % _NB)
        start_out(jj, jj % _NB)
    for b in range(_NB):
        wait_out(b)


def kernel(frame_id, W1, b1, inst_table):
    wext = jnp.concatenate(
        [W1, b1[:, None], jnp.zeros((_D, _K - _TCH - 1), jnp.float32)], axis=1)
    inst3 = inst_table.reshape(_NUM_VIDS, 1, _D)

    table = pl.pallas_call(
        _table_body,
        grid=(_NUM_VIDS,),
        in_specs=[
            pl.BlockSpec((_D, _K), lambda i: (0, 0)),
            pl.BlockSpec((1, 1, _D), lambda i: (i, 0, 0)),
        ],
        out_specs=pl.BlockSpec((_SEG, _D), lambda i: (i, 0)),
        out_shape=jax.ShapeDtypeStruct((_NUM_RAW, _D), jnp.float32),
        scratch_shapes=[pltpu.VMEM((_SEG, _D), jnp.float32)],
    )(wext, inst3)

    idx = frame_id.reshape(_NW, _NCHUNK, _CH)
    mesh = plsc.VectorSubcoreMesh(core_axis_name="c", subcore_axis_name="s",
                                  num_cores=_NC, num_subcores=_NS)
    gather = pl.kernel(
        _gather_body,
        out_type=jax.ShapeDtypeStruct((_B, _D), jnp.float32),
        mesh=mesh,
        scratch_types=(
            [pltpu.VMEM((_NCHUNK, _CH), jnp.int32)]
            + [pltpu.VMEM((_CH, _D), jnp.float32) for _ in range(_NB)]
            + [pltpu.SemaphoreType.DMA for _ in range(2 * _NB)]
        ),
    )
    return gather(table, idx)

# --- scband reference (transcript-rebuilt; emitter-appended) ---
"""Pipeline reference for scband-time-embedding-19945828122914 (READ-ONLY COPY).

The authoritative reference and input builder live on the scoring server;
editing this copy changes nothing except your own understanding.
"""

import jax, jax.numpy as jnp
import numpy as np

NUM_FREQ_T = 6
TIME_SCALE = 1.0
FRAME_OFFSET_RAW = np.array([0, 2048, 4096, 6144, 8192, 10240, 12288, 14336, 16384], dtype=np.int64)
NUM_RAW_FRAMES = int(FRAME_OFFSET_RAW[-1])
NUM_VIDS = len(FRAME_OFFSET_RAW) - 1
OUT_CHANNELS = 128
B = 262144


def _build_lookup_tables():
    # frameid_to_vid: vid i such that offset[i] <= fid < offset[i+1]
    raw_fid = jnp.arange(NUM_RAW_FRAMES)
    offs = jnp.asarray(FRAME_OFFSET_RAW, dtype=jnp.int32)
    vid = jnp.searchsorted(offs, raw_fid.astype(jnp.int32), side="right") - 1
    vid = jnp.clip(vid, 0, NUM_VIDS - 1)
    vidlen = (offs[1:] - offs[:-1])[vid]
    vstart = offs[:-1][vid]
    # relative time within video, normalized to [-1, 1], scaled by time_scale
    tid = (raw_fid.astype(jnp.float32) - vstart.astype(jnp.float32)) / jnp.maximum(vidlen - 1, 1).astype(jnp.float32)
    tid = (tid * 2.0 - 1.0) * TIME_SCALE
    return vid, tid


def _fourier_embed(x):
    # PosEmbedding(in_channels=1, N_freqs=NUM_FREQ_T), logscale, alpha=-1 (no annealing)
    # out layout: [x, then (N_freqs, nfuncs=(sin,cos), in_channels) flattened]
    freq_bands = 2.0 ** jnp.linspace(0.0, NUM_FREQ_T - 1, NUM_FREQ_T)
    signal = freq_bands[None, :, None] * x[:, None, :]  # (B, NF, 1)
    bands = jnp.stack([jnp.sin(signal), jnp.cos(signal)], axis=2)  # (B, NF, 2, 1)
    bands = bands.reshape(x.shape[0], -1)  # (B, NF*2)
    return jnp.concatenate([x, bands], axis=-1)  # (B, 1 + 2*NF)


def setup_inputs(seed: int = 0) -> dict:
    key = jax.random.key(seed)
    k1, k2, k3 = jax.random.split(key, 3)
    t_channels = 1 + 2 * NUM_FREQ_T
    frame_id = jax.random.randint(k1, (B,), 0, NUM_RAW_FRAMES, dtype=jnp.int32)
    W1 = jax.random.normal(k2, (OUT_CHANNELS, t_channels), dtype=jnp.float32) * (1.0 / np.sqrt(t_channels))
    b1 = jnp.zeros((OUT_CHANNELS,), dtype=jnp.float32)
    inst_table = jax.random.normal(k3, (NUM_VIDS, OUT_CHANNELS), dtype=jnp.float32)
    return {"frame_id": frame_id, "W1": W1, "b1": b1, "inst_table": inst_table}


def reference(frame_id, W1, b1, inst_table):
    raw_fid_to_vid, raw_fid_to_tid = _build_lookup_tables()
    inst_id = jnp.take(raw_fid_to_vid, frame_id, axis=0)          # (B,) gather
    t_sample = jnp.take(raw_fid_to_tid, frame_id, axis=0)[:, None]  # (B, 1) gather
    coeff = _fourier_embed(t_sample)                               # (B, 13)
    t_embed = coeff @ W1.T + b1                                    # (B, 128)
    inst_code = jnp.take(inst_table, inst_id, axis=0)              # (B, 128) embedding lookup
    return t_embed + inst_code

if __name__ == "__main__":
    import jax
    _d = setup_inputs()
    print(jax.jit(kernel)(*tuple(_d.values())))

</pallas_src>

<mosaic_0001>
#map = affine_map<(d0, d1) -> (0, 0)>
#map1 = affine_map<(d0, d1) -> (0, 0, 0)>
module attributes {stable_mosaic.version = 14 : i64} {
  func.func @_gather_body(%arg0: i32, %arg1: i32, %arg2: memref<16384x128xf32, #tpu.memory_space<hbm>>, %arg3: memref<32x64x128xi32, #tpu.memory_space<hbm>>, %arg4: memref<262144x128xf32, #tpu.memory_space<hbm>>, %arg5: memref<64x128xi32, #tpu.memory_space<vmem>>, %arg6: memref<128x128xf32, #tpu.memory_space<vmem>>, %arg7: memref<128x128xf32, #tpu.memory_space<vmem>>, %arg8: memref<128x128xf32, #tpu.memory_space<vmem>>, %arg9: memref<128x128xf32, #tpu.memory_space<vmem>>, %arg10: memref<128x128xf32, #tpu.memory_space<vmem>>, %arg11: memref<128x128xf32, #tpu.memory_space<vmem>>, %arg12: memref<!tpu.dma_semaphore, #tpu.memory_space<semaphore_mem>>, %arg13: memref<!tpu.dma_semaphore, #tpu.memory_space<semaphore_mem>>, %arg14: memref<!tpu.dma_semaphore, #tpu.memory_space<semaphore_mem>>, %arg15: memref<!tpu.dma_semaphore, #tpu.memory_space<semaphore_mem>>, %arg16: memref<!tpu.dma_semaphore, #tpu.memory_space<semaphore_mem>>, %arg17: memref<!tpu.dma_semaphore, #tpu.memory_space<semaphore_mem>>, %arg18: memref<!tpu.dma_semaphore, #tpu.memory_space<semaphore_mem>>, %arg19: memref<!tpu.dma_semaphore, #tpu.memory_space<semaphore_mem>>, %arg20: memref<!tpu.dma_semaphore, #tpu.memory_space<semaphore_mem>>, %arg21: memref<!tpu.dma_semaphore, #tpu.memory_space<semaphore_mem>>, %arg22: memref<!tpu.dma_semaphore, #tpu.memory_space<semaphore_mem>>, %arg23: memref<!tpu.dma_semaphore, #tpu.memory_space<semaphore_mem>>) attributes {dimension_semantics = [#tpu.dimension_semantics<core_parallel>, #tpu.dimension_semantics<subcore_parallel>], iteration_bounds = array<i64: 2, 16>, scalar_prefetch = 0 : i64, scratch_operands = 19 : i64, tpu.core_type = #tpu.core_type<sc_vector_subcore>, window_params = [{transform_indices = #map}, {transform_indices = #map1}, {transform_indices = #map}]} {
    %mul3A = arith.constant 2 : i32
    %mul3A_0 = arith.muli %arg1, %mul3A : i32
    %add3A = arith.addi %mul3A_0, %arg0 : i32
    %mul3A_1 = arith.constant 8192 : i32
    %mul3A_2 = arith.muli %add3A, %mul3A_1 : i32
    "tpu.region"() ({
      %run_scoped3A = tpu.sem_alloc : memref<!tpu.dma_semaphore, #tpu.memory_space<semaphore_mem>>
      %dma_start3A_245 = arith.constant 0 : i32
      %dma_start3A_246 = arith.constant 0 : i32
      %dma_start3A_247 = tpu.memref_slice %arg3[%add3A, %dma_start3A_245, %dma_start3A_246] : memref<32x64x128xi32, #tpu.memory_space<hbm>> -> memref<1x64x128xi32, #tpu.memory_space<hbm>>
      %dma_start3A_248 = tpu.memref_squeeze %dma_start3A_247 : memref<1x64x128xi32, #tpu.memory_space<hbm>> -> memref<64x128xi32, #tpu.memory_space<hbm>>
      %dma_start3A_249 = arith.constant 0 : i32
      %dma_start3A_250 = arith.constant 0 : i32
      %dma_start3A_251 = tpu.memref_slice %arg3[%add3A, %dma_start3A_249, %dma_start3A_250] : memref<32x64x128xi32, #tpu.memory_space<hbm>> -> memref<1x64x128xi32, #tpu.memory_space<hbm>>
      %dma_start3A_252 = tpu.memref_squeeze %dma_start3A_251 : memref<1x64x128xi32, #tpu.memory_space<hbm>> -> memref<64x128xi32, #tpu.memory_space<hbm>>
      tpu.enqueue_dma source(%dma_start3A_252 : memref<64x128xi32, #tpu.memory_space<hbm>>) target(%arg5 : memref<64x128xi32, #tpu.memory_space<vmem>>) target_semaphore(%run_scoped3A : memref<!tpu.dma_semaphore, #tpu.memory_space<semaphore_mem>>)
      %dma_wait3A_253 = arith.constant 0 : i32
      %dma_wait3A_254 = arith.constant 0 : i32
      %dma_wait3A_255 = tpu.memref_slice %arg3[%add3A, %dma_wait3A_253, %dma_wait3A_254] : memref<32x64x128xi32, #tpu.memory_space<hbm>> -> memref<1x64x128xi32, #tpu.memory_space<hbm>>
      %dma_wait3A_256 = tpu.memref_squeeze %dma_wait3A_255 : memref<1x64x128xi32, #tpu.memory_space<hbm>> -> memref<64x128xi32, #tpu.memory_space<hbm>>
      %dma_wait3A_257 = arith.constant 0 : i32
      %dma_wait3A_258 = arith.constant 0 : i32
      %dma_wait3A_259 = tpu.memref_slice %arg3[%add3A, %dma_wait3A_257, %dma_wait3A_258] : memref<32x64x128xi32, #tpu.memory_space<hbm>> -> memref<1x64x128xi32, #tpu.memory_space<hbm>>
      %dma_wait3A_260 = tpu.memref_squeeze %dma_wait3A_259 : memref<1x64x128xi32, #tpu.memory_space<hbm>> -> memref<64x128xi32, #tpu.memory_space<hbm>>
      tpu.wait_dma2 semaphore(%run_scoped3A : memref<!tpu.dma_semaphore, #tpu.memory_space<semaphore_mem>>) src(%dma_wait3A_260 : memref<64x128xi32, #tpu.memory_space<hbm>>) dst(%arg5 : memref<64x128xi32, #tpu.memory_space<vmem>>)
      tpu.yield
    }) : () -> ()
    %dma_start3A = arith.constant 0 : i32
    %dma_start3A_3 = arith.constant 0 : i32
    %dma_start3A_4 = tpu.memref_slice %arg5[%dma_start3A, %dma_start3A_3] : memref<64x128xi32, #tpu.memory_space<vmem>> -> memref<1x128xi32, #tpu.memory_space<vmem>>
    %dma_start3A_5 = tpu.memref_squeeze %dma_start3A_4 : memref<1x128xi32, #tpu.memory_space<vmem>> -> memref<128xi32, #tpu.memory_space<vmem>>
    %dma_start3A_6 = arith.constant 0 : i32
    %dma_start3A_7 = arith.constant 0 : i32
    %dma_start3A_8 = tpu.memref_slice %arg2[%dma_start3A_6, %dma_start3A_7] : memref<16384x128xf32, #tpu.memory_space<hbm>> -> memref<16384x128xf32, #tpu.memory_space<hbm>>
    tpu.enqueue_indirect_dma source(%dma_start3A_8 : memref<16384x128xf32, #tpu.memory_space<hbm>>) target(%arg6 : memref<128x128xf32, #tpu.memory_space<vmem>>) offsets(%dma_start3A_5 : memref<128xi32, #tpu.memory_space<vmem>>) semaphore(%arg12 : memref<!tpu.dma_semaphore, #tpu.memory_space<semaphore_mem>>)
    %dma_start3A_9 = arith.constant 1 : i32
    %dma_start3A_10 = arith.constant 0 : i32
    %dma_start3A_11 = tpu.memref_slice %arg5[%dma_start3A_9, %dma_start3A_10] : memref<64x128xi32, #tpu.memory_space<vmem>> -> memref<1x128xi32, #tpu.memory_space<vmem>>
    %dma_start3A_12 = tpu.memref_squeeze %dma_start3A_11 : memref<1x128xi32, #tpu.memory_space<vmem>> -> memref<128xi32, #tpu.memory_space<vmem>>
    %dma_start3A_13 = arith.constant 0 : i32
    %dma_start3A_14 = arith.constant 0 : i32
    %dma_start3A_15 = tpu.memref_slice %arg2[%dma_start3A_13, %dma_start3A_14] : memref<16384x128xf32, #tpu.memory_space<hbm>> -> memref<16384x128xf32, #tpu.memory_space<hbm>>
    tpu.enqueue_indirect_dma source(%dma_start3A_15 : memref<16384x128xf32, #tpu.memory_space<hbm>>) target(%arg7 : memref<128x128xf32, #tpu.memory_space<vmem>>) offsets(%dma_start3A_12 : memref<128xi32, #tpu.memory_space<vmem>>) semaphore(%arg13 : memref<!tpu.dma_semaphore, #tpu.memory_space<semaphore_mem>>)
    %dma_start3A_16 = arith.constant 2 : i32
    %dma_start3A_17 = arith.constant 0 : i32
    %dma_start3A_18 = tpu.memref_slice %arg5[%dma_start3A_16, %dma_start3A_17] : memref<64x128xi32, #tpu.memory_space<vmem>> -> memref<1x128xi32, #tpu.memory_space<vmem>>
    %dma_start3A_19 = tpu.memref_squeeze %dma_start3A_18 : memref<1x128xi32, #tpu.memory_space<vmem>> -> memref<128xi32, #tpu.memory_space<vmem>>
    %dma_start3A_20 = arith.constant 0 : i32
    %dma_start3A_21 = arith.constant 0 : i32
    %dma_start3A_22 = tpu.memref_slice %arg2[%dma_start3A_20, %dma_start3A_21] : memref<16384x128xf32, #tpu.memory_space<hbm>> -> memref<16384x128xf32, #tpu.memory_space<hbm>>
    tpu.enqueue_indirect_dma source(%dma_start3A_22 : memref<16384x128xf32, #tpu.memory_space<hbm>>) target(%arg8 : memref<128x128xf32, #tpu.memory_space<vmem>>) offsets(%dma_start3A_19 : memref<128xi32, #tpu.memory_space<vmem>>) semaphore(%arg14 : memref<!tpu.dma_semaphore, #tpu.memory_space<semaphore_mem>>)
    %dma_wait3A = arith.constant 0 : i32
    %dma_wait3A_23 = arith.constant 0 : i32
    %dma_wait3A_24 = tpu.memref_slice %arg5[%dma_wait3A, %dma_wait3A_23] : memref<64x128xi32, #tpu.memory_space<vmem>> -> memref<1x128xi32, #tpu.memory_space<vmem>>
    %dma_wait3A_25 = tpu.memref_squeeze %dma_wait3A_24 : memref<1x128xi32, #tpu.memory_space<vmem>> -> memref<128xi32, #tpu.memory_space<vmem>>
    %dma_wait3A_26 = arith.constant 0 : i32
    %dma_wait3A_27 = arith.constant 0 : i32
    %dma_wait3A_28 = tpu.memref_slice %arg2[%dma_wait3A_26, %dma_wait3A_27] : memref<16384x128xf32, #tpu.memory_space<hbm>> -> memref<16384x128xf32, #tpu.memory_space<hbm>>
    tpu.wait_indirect_dma semaphore(%arg12 : memref<!tpu.dma_semaphore, #tpu.memory_space<semaphore_mem>>) src(%dma_wait3A_28 : memref<16384x128xf32, #tpu.memory_space<hbm>>) dst(%arg6 : memref<128x128xf32, #tpu.memory_space<vmem>>)
    %add3A_29 = arith.constant 0 : i32
    %add3A_30 = arith.addi %mul3A_2, %add3A_29 : i32
    %dma_start3A_31 = arith.constant 0 : i32
    %dma_start3A_32 = tpu.memref_slice %arg4[%add3A_30, %dma_start3A_31] : memref<262144x128xf32, #tpu.memory_space<hbm>> -> memref<128x128xf32, #tpu.memory_space<hbm>>
    %dma_start3A_33 = arith.constant 0 : i32
    %dma_start3A_34 = tpu.memref_slice %arg4[%add3A_30, %dma_start3A_33] : memref<262144x128xf32, #tpu.memory_space<hbm>> -> memref<128x128xf32, #tpu.memory_space<hbm>>
    tpu.enqueue_dma source(%arg6 : memref<128x128xf32, #tpu.memory_space<vmem>>) target(%dma_start3A_34 : memref<128x128xf32, #tpu.memory_space<hbm>>) target_semaphore(%arg18 : memref<!tpu.dma_semaphore, #tpu.memory_space<semaphore_mem>>)
    %dma_start3A_35 = arith.constant 3 : i32
    %dma_start3A_36 = arith.constant 0 : i32
    %dma_start3A_37 = tpu.memref_slice %arg5[%dma_start3A_35, %dma_start3A_36] : memref<64x128xi32, #tpu.memory_space<vmem>> -> memref<1x128xi32, #tpu.memory_space<vmem>>
    %dma_start3A_38 = tpu.memref_squeeze %dma_start3A_37 : memref<1x128xi32, #tpu.memory_space<vmem>> -> memref<128xi32, #tpu.memory_space<vmem>>
    %dma_start3A_39 = arith.constant 0 : i32
    %dma_start3A_40 = arith.constant 0 : i32
    %dma_start3A_41 = tpu.memref_slice %arg2[%dma_start3A_39, %dma_start3A_40] : memref<16384x128xf32, #tpu.memory_space<hbm>> -> memref<16384x128xf32, #tpu.memory_space<hbm>>
    tpu.enqueue_indirect_dma source(%dma_start3A_41 : memref<16384x128xf32, #tpu.memory_space<hbm>>) target(%arg9 : memref<128x128xf32, #tpu.memory_space<vmem>>) offsets(%dma_start3A_38 : memref<128xi32, #tpu.memory_space<vmem>>) semaphore(%arg15 : memref<!tpu.dma_semaphore, #tpu.memory_space<semaphore_mem>>)
    %dma_wait3A_42 = arith.constant 0 : i32
    %dma_wait3A_43 = arith.constant 0 : i32
    %dma_wait3A_44 = tpu.memref_slice %arg5[%dma_wait3A_42, %dma_wait3A_43] : memref<64x128xi32, #tpu.memory_space<vmem>> -> memref<1x128xi32, #tpu.memory_space<vmem>>
    %dma_wait3A_45 = tpu.memref_squeeze %dma_wait3A_44 : memref<1x128xi32, #tpu.memory_space<vmem>> -> memref<128xi32, #tpu.memory_space<vmem>>
    %dma_wait3A_46 = arith.constant 0 : i32
    %dma_wait3A_47 = arith.constant 0 : i32
    %dma_wait3A_48 = tpu.memref_slice %arg2[%dma_wait3A_46, %dma_wait3A_47] : memref<16384x128xf32, #tpu.memory_space<hbm>> -> memref<16384x128xf32, #tpu.memory_space<hbm>>
    tpu.wait_indirect_dma semaphore(%arg13 : memref<!tpu.dma_semaphore, #tpu.memory_space<semaphore_mem>>) src(%dma_wait3A_48 : memref<16384x128xf32, #tpu.memory_space<hbm>>) dst(%arg7 : memref<128x128xf32, #tpu.memory_space<vmem>>)
    %add3A_49 = arith.constant 128 : i32
    %add3A_50 = arith.addi %mul3A_2, %add3A_49 : i32
    %dma_start3A_51 = arith.constant 0 : i32
    %dma_start3A_52 = tpu.memref_slice %arg4[%add3A_50, %dma_start3A_51] : memref<262144x128xf32, #tpu.memory_space<hbm>> -> memref<128x128xf32, #tpu.memory_space<hbm>>
    %dma_start3A_53 = arith.constant 0 : i32
    %dma_start3A_54 = tpu.memref_slice %arg4[%add3A_50, %dma_start3A_53] : memref<262144x128xf32, #tpu.memory_space<hbm>> -> memref<128x128xf32, #tpu.memory_space<hbm>>
    tpu.enqueue_dma source(%arg7 : memref<128x128xf32, #tpu.memory_space<vmem>>) target(%dma_start3A_54 : memref<128x128xf32, #tpu.memory_space<hbm>>) target_semaphore(%arg19 : memref<!tpu.dma_semaphore, #tpu.memory_space<semaphore_mem>>)
    %dma_start3A_55 = arith.constant 4 : i32
    %dma_start3A_56 = arith.constant 0 : i32
    %dma_start3A_57 = tpu.memref_slice %arg5[%dma_start3A_55, %dma_start3A_56] : memref<64x128xi32, #tpu.memory_space<vmem>> -> memref<1x128xi32, #tpu.memory_space<vmem>>
    %dma_start3A_58 = tpu.memref_squeeze %dma_start3A_57 : memref<1x128xi32, #tpu.memory_space<vmem>> -> memref<128xi32, #tpu.memory_space<vmem>>
    %dma_start3A_59 = arith.constant 0 : i32
    %dma_start3A_60 = arith.constant 0 : i32
    %dma_start3A_61 = tpu.memref_slice %arg2[%dma_start3A_59, %dma_start3A_60] : memref<16384x128xf32, #tpu.memory_space<hbm>> -> memref<16384x128xf32, #tpu.memory_space<hbm>>
    tpu.enqueue_indirect_dma source(%dma_start3A_61 : memref<16384x128xf32, #tpu.memory_space<hbm>>) target(%arg10 : memref<128x128xf32, #tpu.memory_space<vmem>>) offsets(%dma_start3A_58 : memref<128xi32, #tpu.memory_space<vmem>>) semaphore(%arg16 : memref<!tpu.dma_semaphore, #tpu.memory_space<semaphore_mem>>)
    %dma_wait3A_62 = arith.constant 0 : i32
    %dma_wait3A_63 = arith.constant 0 : i32
    %dma_wait3A_64 = tpu.memref_slice %arg5[%dma_wait3A_62, %dma_wait3A_63] : memref<64x128xi32, #tpu.memory_space<vmem>> -> memref<1x128xi32, #tpu.memory_space<vmem>>
    %dma_wait3A_65 = tpu.memref_squeeze %dma_wait3A_64 : memref<1x128xi32, #tpu.memory_space<vmem>> -> memref<128xi32, #tpu.memory_space<vmem>>
    %dma_wait3A_66 = arith.constant 0 : i32
    %dma_wait3A_67 = arith.constant 0 : i32
    %dma_wait3A_68 = tpu.memref_slice %arg2[%dma_wait3A_66, %dma_wait3A_67] : memref<16384x128xf32, #tpu.memory_space<hbm>> -> memref<16384x128xf32, #tpu.memory_space<hbm>>
    tpu.wait_indirect_dma semaphore(%arg14 : memref<!tpu.dma_semaphore, #tpu.memory_space<semaphore_mem>>) src(%dma_wait3A_68 : memref<16384x128xf32, #tpu.memory_space<hbm>>) dst(%arg8 : memref<128x128xf32, #tpu.memory_space<vmem>>)
    %add3A_69 = arith.constant 256 : i32
    %add3A_70 = arith.addi %mul3A_2, %add3A_69 : i32
    %dma_start3A_71 = arith.constant 0 : i32
    %dma_start3A_72 = tpu.memref_slice %arg4[%add3A_70, %dma_start3A_71] : memref<262144x128xf32, #tpu.memory_space<hbm>> -> memref<128x128xf32, #tpu.memory_space<hbm>>
    %dma_start3A_73 = arith.constant 0 : i32
    %dma_start3A_74 = tpu.memref_slice %arg4[%add3A_70, %dma_start3A_73] : memref<262144x128xf32, #tpu.memory_space<hbm>> -> memref<128x128xf32, #tpu.memory_space<hbm>>
    tpu.enqueue_dma source(%arg8 : memref<128x128xf32, #tpu.memory_space<vmem>>) target(%dma_start3A_74 : memref<128x128xf32, #tpu.memory_space<hbm>>) target_semaphore(%arg20 : memref<!tpu.dma_semaphore, #tpu.memory_space<semaphore_mem>>)
    %dma_start3A_75 = arith.constant 5 : i32
    %dma_start3A_76 = arith.constant 0 : i32
    %dma_start3A_77 = tpu.memref_slice %arg5[%dma_start3A_75, %dma_start3A_76] : memref<64x128xi32, #tpu.memory_space<vmem>> -> memref<1x128xi32, #tpu.memory_space<vmem>>
    %dma_start3A_78 = tpu.memref_squeeze %dma_start3A_77 : memref<1x128xi32, #tpu.memory_space<vmem>> -> memref<128xi32, #tpu.memory_space<vmem>>
    %dma_start3A_79 = arith.constant 0 : i32
    %dma_start3A_80 = arith.constant 0 : i32
    %dma_start3A_81 = tpu.memref_slice %arg2[%dma_start3A_79, %dma_start3A_80] : memref<16384x128xf32, #tpu.memory_space<hbm>> -> memref<16384x128xf32, #tpu.memory_space<hbm>>
    tpu.enqueue_indirect_dma source(%dma_start3A_81 : memref<16384x128xf32, #tpu.memory_space<hbm>>) target(%arg11 : memref<128x128xf32, #tpu.memory_space<vmem>>) offsets(%dma_start3A_78 : memref<128xi32, #tpu.memory_space<vmem>>) semaphore(%arg17 : memref<!tpu.dma_semaphore, #tpu.memory_space<semaphore_mem>>)
    %dma_wait3A_82 = arith.constant 0 : i32
    %dma_wait3A_83 = arith.constant 0 : i32
    %dma_wait3A_84 = tpu.memref_slice %arg5[%dma_wait3A_82, %dma_wait3A_83] : memref<64x128xi32, #tpu.memory_space<vmem>> -> memref<1x128xi32, #tpu.memory_space<vmem>>
    %dma_wait3A_85 = tpu.memref_squeeze %dma_wait3A_84 : memref<1x128xi32, #tpu.memory_space<vmem>> -> memref<128xi32, #tpu.memory_space<vmem>>
    %dma_wait3A_86 = arith.constant 0 : i32
    %dma_wait3A_87 = arith.constant 0 : i32
    %dma_wait3A_88 = tpu.memref_slice %arg2[%dma_wait3A_86, %dma_wait3A_87] : memref<16384x128xf32, #tpu.memory_space<hbm>> -> memref<16384x128xf32, #tpu.memory_space<hbm>>
    tpu.wait_indirect_dma semaphore(%arg15 : memref<!tpu.dma_semaphore, #tpu.memory_space<semaphore_mem>>) src(%dma_wait3A_88 : memref<16384x128xf32, #tpu.memory_space<hbm>>) dst(%arg9 : memref<128x128xf32, #tpu.memory_space<vmem>>)
    %add3A_89 = arith.constant 384 : i32
    %add3A_90 = arith.addi %mul3A_2, %add3A_89 : i32
    %dma_start3A_91 = arith.constant 0 : i32
    %dma_start3A_92 = tpu.memref_slice %arg4[%add3A_90, %dma_start3A_91] : memref<262144x128xf32, #tpu.memory_space<hbm>> -> memref<128x128xf32, #tpu.memory_space<hbm>>
    %dma_start3A_93 = arith.constant 0 : i32
    %dma_start3A_94 = tpu.memref_slice %arg4[%add3A_90, %dma_start3A_93] : memref<262144x128xf32, #tpu.memory_space<hbm>> -> memref<128x128xf32, #tpu.memory_space<hbm>>
    tpu.enqueue_dma source(%arg9 : memref<128x128xf32, #tpu.memory_space<vmem>>) target(%dma_start3A_94 : memref<128x128xf32, #tpu.memory_space<hbm>>) target_semaphore(%arg21 : memref<!tpu.dma_semaphore, #tpu.memory_space<semaphore_mem>>)
    %dma_wait3A_95 = arith.constant 0 : i32
    %dma_wait3A_96 = tpu.memref_slice %arg4[%mul3A_2, %dma_wait3A_95] : memref<262144x128xf32, #tpu.memory_space<hbm>> -> memref<128x128xf32, #tpu.memory_space<hbm>>
    %dma_wait3A_97 = arith.constant 0 : i32
    %dma_wait3A_98 = tpu.memref_slice %arg4[%mul3A_2, %dma_wait3A_97] : memref<262144x128xf32, #tpu.memory_space<hbm>> -> memref<128x128xf32, #tpu.memory_space<hbm>>
    tpu.wait_dma2 semaphore(%arg18 : memref<!tpu.dma_semaphore, #tpu.memory_space<semaphore_mem>>) src(%arg6 : memref<128x128xf32, #tpu.memory_space<vmem>>) dst(%dma_wait3A_98 : memref<128x128xf32, #tpu.memory_space<hbm>>)
    %dma_start3A_99 = arith.constant 6 : i32
    %dma_start3A_100 = arith.constant 0 : i32
    %dma_start3A_101 = tpu.memref_slice %arg5[%dma_start3A_99, %dma_start3A_100] : memref<64x128xi32, #tpu.memory_space<vmem>> -> memref<1x128xi32, #tpu.memory_space<vmem>>
    %dma_start3A_102 = tpu.memref_squeeze %dma_start3A_101 : memref<1x128xi32, #tpu.memory_space<vmem>> -> memref<128xi32, #tpu.memory_space<vmem>>
    %dma_start3A_103 = arith.constant 0 : i32
    %dma_start3A_104 = arith.constant 0 : i32
    %dma_start3A_105 = tpu.memref_slice %arg2[%dma_start3A_103, %dma_start3A_104] : memref<16384x128xf32, #tpu.memory_space<hbm>> -> memref<16384x128xf32, #tpu.memory_space<hbm>>
    tpu.enqueue_indirect_dma source(%dma_start3A_105 : memref<16384x128xf32, #tpu.memory_space<hbm>>) target(%arg6 : memref<128x128xf32, #tpu.memory_space<vmem>>) offsets(%dma_start3A_102 : memref<128xi32, #tpu.memory_space<vmem>>) semaphore(%arg12 : memref<!tpu.dma_semaphore, #tpu.memory_space<semaphore_mem>>)
    %dma_wait3A_106 = arith.constant 0 : i32
    %dma_wait3A_107 = arith.constant 0 : i32
    %dma_wait3A_108 = tpu.memref_slice %arg5[%dma_wait3A_106, %dma_wait3A_107] : memref<64x128xi32, #tpu.memory_space<vmem>> -> memref<1x128xi32, #tpu.memory_space<vmem>>
    %dma_wait3A_109 = tpu.memref_squeeze %dma_wait3A_108 : memref<1x128xi32, #tpu.memory_space<vmem>> -> memref<128xi32, #tpu.memory_space<vmem>>
    %dma_wait3A_110 = arith.constant 0 : i32
    %dma_wait3A_111 = arith.constant 0 : i32
    %dma_wait3A_112 = tpu.memref_slice %arg2[%dma_wait3A_110, %dma_wait3A_111] : memref<16384x128xf32, #tpu.memory_space<hbm>> -> memref<16384x128xf32, #tpu.memory_space<hbm>>
    tpu.wait_indirect_dma semaphore(%arg16 : memref<!tpu.dma_semaphore, #tpu.memory_space<semaphore_mem>>) src(%dma_wait3A_112 : memref<16384x128xf32, #tpu.memory_space<hbm>>) dst(%arg10 : memref<128x128xf32, #tpu.memory_space<vmem>>)
    %add3A_113 = arith.constant 512 : i32
    %add3A_114 = arith.addi %mul3A_2, %add3A_113 : i32
    %dma_start3A_115 = arith.constant 0 : i32
    %dma_start3A_116 = tpu.memref_slice %arg4[%add3A_114, %dma_start3A_115] : memref<262144x128xf32, #tpu.memory_space<hbm>> -> memref<128x128xf32, #tpu.memory_space<hbm>>
    %dma_start3A_117 = arith.constant 0 : i32
    %dma_start3A_118 = tpu.memref_slice %arg4[%add3A_114, %dma_start3A_117] : memref<262144x128xf32, #tpu.memory_space<hbm>> -> memref<128x128xf32, #tpu.memory_space<hbm>>
    tpu.enqueue_dma source(%arg10 : memref<128x128xf32, #tpu.memory_space<vmem>>) target(%dma_start3A_118 : memref<128x128xf32, #tpu.memory_space<hbm>>) target_semaphore(%arg22 : memref<!tpu.dma_semaphore, #tpu.memory_space<semaphore_mem>>)
    %dma_wait3A_119 = arith.constant 0 : i32
    %dma_wait3A_120 = tpu.memref_slice %arg4[%mul3A_2, %dma_wait3A_119] : memref<262144x128xf32, #tpu.memory_space<hbm>> -> memref<128x128xf32, #tpu.memory_space<hbm>>
    %dma_wait3A_121 = arith.constant 0 : i32
    %dma_wait3A_122 = tpu.memref_slice %arg4[%mul3A_2, %dma_wait3A_121] : memref<262144x128xf32, #tpu.memory_space<hbm>> -> memref<128x128xf32, #tpu.memory_space<hbm>>
    tpu.wait_dma2 semaphore(%arg19 : memref<!tpu.dma_semaphore, #tpu.memory_space<semaphore_mem>>) src(%arg7 : memref<128x128xf32, #tpu.memory_space<vmem>>) dst(%dma_wait3A_122 : memref<128x128xf32, #tpu.memory_space<hbm>>)
    %dma_start3A_123 = arith.constant 7 : i32
    %dma_start3A_124 = arith.constant 0 : i32
    %dma_start3A_125 = tpu.memref_slice %arg5[%dma_start3A_123, %dma_start3A_124] : memref<64x128xi32, #tpu.memory_space<vmem>> -> memref<1x128xi32, #tpu.memory_space<vmem>>
    %dma_start3A_126 = tpu.memref_squeeze %dma_start3A_125 : memref<1x128xi32, #tpu.memory_space<vmem>> -> memref<128xi32, #tpu.memory_space<vmem>>
    %dma_start3A_127 = arith.constant 0 : i32
    %dma_start3A_128 = arith.constant 0 : i32
    %dma_start3A_129 = tpu.memref_slice %arg2[%dma_start3A_127, %dma_start3A_128] : memref<16384x128xf32, #tpu.memory_space<hbm>> -> memref<16384x128xf32, #tpu.memory_space<hbm>>
    tpu.enqueue_indirect_dma source(%dma_start3A_129 : memref<16384x128xf32, #tpu.memory_space<hbm>>) target(%arg7 : memref<128x128xf32, #tpu.memory_space<vmem>>) offsets(%dma_start3A_126 : memref<128xi32, #tpu.memory_space<vmem>>) semaphore(%arg13 : memref<!tpu.dma_semaphore, #tpu.memory_space<semaphore_mem>>)
    %dma_wait3A_130 = arith.constant 0 : i32
    %dma_wait3A_131 = arith.constant 0 : i32
    %dma_wait3A_132 = tpu.memref_slice %arg5[%dma_wait3A_130, %dma_wait3A_131] : memref<64x128xi32, #tpu.memory_space<vmem>> -> memref<1x128xi32, #tpu.memory_space<vmem>>
    %dma_wait3A_133 = tpu.memref_squeeze %dma_wait3A_132 : memref<1x128xi32, #tpu.memory_space<vmem>> -> memref<128xi32, #tpu.memory_space<vmem>>
    %dma_wait3A_134 = arith.constant 0 : i32
    %dma_wait3A_135 = arith.constant 0 : i32
    %dma_wait3A_136 = tpu.memref_slice %arg2[%dma_wait3A_134, %dma_wait3A_135] : memref<16384x128xf32, #tpu.memory_space<hbm>> -> memref<16384x128xf32, #tpu.memory_space<hbm>>
    tpu.wait_indirect_dma semaphore(%arg17 : memref<!tpu.dma_semaphore, #tpu.memory_space<semaphore_mem>>) src(%dma_wait3A_136 : memref<16384x128xf32, #tpu.memory_space<hbm>>) dst(%arg11 : memref<128x128xf32, #tpu.memory_space<vmem>>)
    %add3A_137 = arith.constant 640 : i32
    %add3A_138 = arith.addi %mul3A_2, %add3A_137 : i32
    %dma_start3A_139 = arith.constant 0 : i32
    %dma_start3A_140 = tpu.memref_slice %arg4[%add3A_138, %dma_start3A_139] : memref<262144x128xf32, #tpu.memory_space<hbm>> -> memref<128x128xf32, #tpu.memory_space<hbm>>
    %dma_start3A_141 = arith.constant 0 : i32
    %dma_start3A_142 = tpu.memref_slice %arg4[%add3A_138, %dma_start3A_141] : memref<262144x128xf32, #tpu.memory_space<hbm>> -> memref<128x128xf32, #tpu.memory_space<hbm>>
    tpu.enqueue_dma source(%arg11 : memref<128x128xf32, #tpu.memory_space<vmem>>) target(%dma_start3A_142 : memref<128x128xf32, #tpu.memory_space<hbm>>) target_semaphore(%arg23 : memref<!tpu.dma_semaphore, #tpu.memory_space<semaphore_mem>>)
    %dma_wait3A_143 = arith.constant 0 : i32
    %dma_wait3A_144 = tpu.memref_slice %arg4[%mul3A_2, %dma_wait3A_143] : memref<262144x128xf32, #tpu.memory_space<hbm>> -> memref<128x128xf32, #tpu.memory_space<hbm>>
    %dma_wait3A_145 = arith.constant 0 : i32
    %dma_wait3A_146 = tpu.memref_slice %arg4[%mul3A_2, %dma_wait3A_145] : memref<262144x128xf32, #tpu.memory_space<hbm>> -> memref<128x128xf32, #tpu.memory_space<hbm>>
    tpu.wait_dma2 semaphore(%arg20 : memref<!tpu.dma_semaphore, #tpu.memory_space<semaphore_mem>>) src(%arg8 : memref<128x128xf32, #tpu.memory_space<vmem>>) dst(%dma_wait3A_146 : memref<128x128xf32, #tpu.memory_space<hbm>>)
    %dma_start3A_147 = arith.constant 8 : i32
    %dma_start3A_148 = arith.constant 0 : i32
    %dma_start3A_149 = tpu.memref_slice %arg5[%dma_start3A_147, %dma_start3A_148] : memref<64x128xi32, #tpu.memory_space<vmem>> -> memref<1x128xi32, #tpu.memory_space<vmem>>
    %dma_start3A_150 = tpu.memref_squeeze %dma_start3A_149 : memref<1x128xi32, #tpu.memory_space<vmem>> -> memref<128xi32, #tpu.memory_space<vmem>>
    %dma_start3A_151 = arith.constant 0 : i32
    %dma_start3A_152 = arith.constant 0 : i32
    %dma_start3A_153 = tpu.memref_slice %arg2[%dma_start3A_151, %dma_start3A_152] : memref<16384x128xf32, #tpu.memory_space<hbm>> -> memref<16384x128xf32, #tpu.memory_space<hbm>>
    tpu.enqueue_indirect_dma source(%dma_start3A_153 : memref<16384x128xf32, #tpu.memory_space<hbm>>) target(%arg8 : memref<128x128xf32, #tpu.memory_space<vmem>>) offsets(%dma_start3A_150 : memref<128xi32, #tpu.memory_space<vmem>>) semaphore(%arg14 : memref<!tpu.dma_semaphore, #tpu.memory_space<semaphore_mem>>)
    %dma_wait3A_154 = arith.constant 0 : i32
    %dma_wait3A_155 = arith.constant 0 : i32
    %dma_wait3A_156 = tpu.memref_slice %arg5[%dma_wait3A_154, %dma_wait3A_155] : memref<64x128xi32, #tpu.memory_space<vmem>> -> memref<1x128xi32, #tpu.memory_space<vmem>>
    %dma_wait3A_157 = tpu.memref_squeeze %dma_wait3A_156 : memref<1x128xi32, #tpu.memory_space<vmem>> -> memref<128xi32, #tpu.memory_space<vmem>>
    %dma_wait3A_158 = arith.constant 0 : i32
    %dma_wait3A_159 = arith.constant 0 : i32
    %dma_wait3A_160 = tpu.memref_slice %arg2[%dma_wait3A_158, %dma_wait3A_159] : memref<16384x128xf32, #tpu.memory_space<hbm>> -> memref<16384x128xf32, #tpu.memory_space<hbm>>
    tpu.wait_indirect_dma semaphore(%arg12 : memref<!tpu.dma_semaphore, #tpu.memory_space<semaphore_mem>>) src(%dma_wait3A_160 : memref<16384x128xf32, #tpu.memory_space<hbm>>) dst(%arg6 : memref<128x128xf32, #tpu.memory_space<vmem>>)
    %add3A_161 = arith.constant 768 : i32
    %add3A_162 = arith.addi %mul3A_2, %add3A_161 : i32
    %dma_start3A_163 = arith.constant 0 : i32
    %dma_start3A_164 = tpu.memref_slice %arg4[%add3A_162, %dma_start3A_163] : memref<262144x128xf32, #tpu.memory_space<hbm>> -> memref<128x128xf32, #tpu.memory_space<hbm>>
    %dma_start3A_165 = arith.constant 0 : i32
    %dma_start3A_166 = tpu.memref_slice %arg4[%add3A_162, %dma_start3A_165] : memref<262144x128xf32, #tpu.memory_space<hbm>> -> memref<128x128xf32, #tpu.memory_space<hbm>>
    tpu.enqueue_dma source(%arg6 : memref<128x128xf32, #tpu.memory_space<vmem>>) target(%dma_start3A_166 : memref<128x128xf32, #tpu.memory_space<hbm>>) target_semaphore(%arg18 : memref<!tpu.dma_semaphore, #tpu.memory_space<semaphore_mem>>)
    %dma_wait3A_167 = arith.constant 0 : i32
    %dma_wait3A_168 = tpu.memref_slice %arg4[%mul3A_2, %dma_wait3A_167] : memref<262144x128xf32, #tpu.memory_space<hbm>> -> memref<128x128xf32, #tpu.memory_space<hbm>>
    %dma_wait3A_169 = arith.constant 0 : i32
    %dma_wait3A_170 = tpu.memref_slice %arg4[%mul3A_2, %dma_wait3A_169] : memref<262144x128xf32, #tpu.memory_space<hbm>> -> memref<128x128xf32, #tpu.memory_space<hbm>>
    tpu.wait_dma2 semaphore(%arg21 : memref<!tpu.dma_semaphore, #tpu.memory_space<semaphore_mem>>) src(%arg9 : memref<128x128xf32, #tpu.memory_space<vmem>>) dst(%dma_wait3A_170 : memref<128x128xf32, #tpu.memory_space<hbm>>)
    %dma_start3A_171 = arith.constant 9 : i32
    %dma_start3A_172 = arith.constant 0 : i32
    %dma_start3A_173 = tpu.memref_slice %arg5[%dma_start3A_171, %dma_start3A_172] : memref<64x128xi32, #tpu.memory_space<vmem>> -> memref<1x128xi32, #tpu.memory_space<vmem>>
    %dma_start3A_174 = tpu.memref_squeeze %dma_start3A_173 : memref<1x128xi32, #tpu.memory_space<vmem>> -> memref<128xi32, #tpu.memory_space<vmem>>
    %dma_start3A_175 = arith.constant 0 : i32
    %dma_start3A_176 = arith.constant 0 : i32
    %dma_start3A_177 = tpu.memref_slice %arg2[%dma_start3A_175, %dma_start3A_176] : memref<16384x128xf32, #tpu.memory_space<hbm>> -> memref<16384x128xf32, #tpu.memory_space<hbm>>
    tpu.enqueue_indirect_dma source(%dma_start3A_177 : memref<16384x128xf32, #tpu.memory_space<hbm>>) target(%arg9 : memref<128x128xf32, #tpu.memory_space<vmem>>) offsets(%dma_start3A_174 : memref<128xi32, #tpu.memory_space<vmem>>) semaphore(%arg15 : memref<!tpu.dma_semaphore, #tpu.memory_space<semaphore_mem>>)
    %scan3A = arith.constant 0 : i32
    %scan3A_178 = arith.constant 9 : i32
    %scan3A_179 = arith.addi %scan3A, %scan3A_178 : i32
    %scan3A_180 = arith.constant 1 : i32
    scf.for %scan3A_245 = %scan3A to %scan3A_179 step %scan3A_180  : i32 {
      %mul3A_246 = arith.constant 6 : i32
      %mul3A_247 = arith.muli %scan3A_245, %mul3A_246 : i32
      %add3A_248 = arith.constant 7 : i32
      %add3A_249 = arith.addi %add3A_248, %mul3A_247 : i32
      %add3A_250 = arith.constant 0 : i32
      %add3A_251 = arith.addi %add3A_249, %add3A_250 : i32
      %dma_wait3A_252 = arith.constant 0 : i32
      %dma_wait3A_253 = arith.constant 0 : i32
      %dma_wait3A_254 = tpu.memref_slice %arg5[%dma_wait3A_252, %dma_wait3A_253] : memref<64x128xi32, #tpu.memory_space<vmem>> -> memref<1x128xi32, #tpu.memory_space<vmem>>
      %dma_wait3A_255 = tpu.memref_squeeze %dma_wait3A_254 : memref<1x128xi32, #tpu.memory_space<vmem>> -> memref<128xi32, #tpu.memory_space<vmem>>
      %dma_wait3A_256 = arith.constant 0 : i32
      %dma_wait3A_257 = arith.constant 0 : i32
      %dma_wait3A_258 = tpu.memref_slice %arg2[%dma_wait3A_256, %dma_wait3A_257] : memref<16384x128xf32, #tpu.memory_space<hbm>> -> memref<16384x128xf32, #tpu.memory_space<hbm>>
      tpu.wait_indirect_dma semaphore(%arg13 : memref<!tpu.dma_semaphore, #tpu.memory_space<semaphore_mem>>) src(%dma_wait3A_258 : memref<16384x128xf32, #tpu.memory_space<hbm>>) dst(%arg7 : memref<128x128xf32, #tpu.memory_space<vmem>>)
      %mul3A_259 = arith.constant 128 : i32
      %mul3A_260 = arith.muli %add3A_251, %mul3A_259 : i32
      %add3A_261 = arith.addi %mul3A_2, %mul3A_260 : i32
      %dma_start3A_262 = arith.constant 0 : i32
      %dma_start3A_263 = tpu.memref_slice %arg4[%add3A_261, %dma_start3A_262] : memref<262144x128xf32, #tpu.memory_space<hbm>> -> memref<128x128xf32, #tpu.memory_space<hbm>>
      %dma_start3A_264 = arith.constant 0 : i32
      %dma_start3A_265 = tpu.memref_slice %arg4[%add3A_261, %dma_start3A_264] : memref<262144x128xf32, #tpu.memory_space<hbm>> -> memref<128x128xf32, #tpu.memory_space<hbm>>
      tpu.enqueue_dma source(%arg7 : memref<128x128xf32, #tpu.memory_space<vmem>>) target(%dma_start3A_265 : memref<128x128xf32, #tpu.memory_space<hbm>>) target_semaphore(%arg19 : memref<!tpu.dma_semaphore, #tpu.memory_space<semaphore_mem>>)
      %dma_wait3A_266 = arith.constant 0 : i32
      %dma_wait3A_267 = tpu.memref_slice %arg4[%mul3A_2, %dma_wait3A_266] : memref<262144x128xf32, #tpu.memory_space<hbm>> -> memref<128x128xf32, #tpu.memory_space<hbm>>
      %dma_wait3A_268 = arith.constant 0 : i32
      %dma_wait3A_269 = tpu.memref_slice %arg4[%mul3A_2, %dma_wait3A_268] : memref<262144x128xf32, #tpu.memory_space<hbm>> -> memref<128x128xf32, #tpu.memory_space<hbm>>
      tpu.wait_dma2 semaphore(%arg22 : memref<!tpu.dma_semaphore, #tpu.memory_space<semaphore_mem>>) src(%arg10 : memref<128x128xf32, #tpu.memory_space<vmem>>) dst(%dma_wait3A_269 : memref<128x128xf32, #tpu.memory_space<hbm>>)
      %add3A_270 = arith.constant 3 : i32
      %add3A_271 = arith.addi %add3A_251, %add3A_270 : i32
      %dma_start3A_272 = arith.constant 0 : i32
      %dma_start3A_273 = tpu.memref_slice %arg5[%add3A_271, %dma_start3A_272] : memref<64x128xi32, #tpu.memory_space<vmem>> -> memref<1x128xi32, #tpu.memory_space<vmem>>
      %dma_start3A_274 = tpu.memref_squeeze %dma_start3A_273 : memref<1x128xi32, #tpu.memory_space<vmem>> -> memref<128xi32, #tpu.memory_space<vmem>>
      %dma_start3A_275 = arith.constant 0 : i32
      %dma_start3A_276 = arith.constant 0 : i32
      %dma_start3A_277 = tpu.memref_slice %arg2[%dma_start3A_275, %dma_start3A_276] : memref<16384x128xf32, #tpu.memory_space<hbm>> -> memref<16384x128xf32, #tpu.memory_space<hbm>>
      tpu.enqueue_indirect_dma source(%dma_start3A_277 : memref<16384x128xf32, #tpu.memory_space<hbm>>) target(%arg10 : memref<128x128xf32, #tpu.memory_space<vmem>>) offsets(%dma_start3A_274 : memref<128xi32, #tpu.memory_space<vmem>>) semaphore(%arg16 : memref<!tpu.dma_semaphore, #tpu.memory_space<semaphore_mem>>)
      %add3A_278 = arith.constant 1 : i32
      %add3A_279 = arith.addi %add3A_249, %add3A_278 : i32
      %dma_wait3A_280 = arith.constant 0 : i32
      %dma_wait3A_281 = arith.constant 0 : i32
      %dma_wait3A_282 = tpu.memref_slice %arg5[%dma_wait3A_280, %dma_wait3A_281] : memref<64x128xi32, #tpu.memory_space<vmem>> -> memref<1x128xi32, #tpu.memory_space<vmem>>
      %dma_wait3A_283 = tpu.memref_squeeze %dma_wait3A_282 : memref<1x128xi32, #tpu.memory_space<vmem>> -> memref<128xi32, #tpu.memory_space<vmem>>
      %dma_wait3A_284 = arith.constant 0 : i32
      %dma_wait3A_285 = arith.constant 0 : i32
      %dma_wait3A_286 = tpu.memref_slice %arg2[%dma_wait3A_284, %dma_wait3A_285] : memref<16384x128xf32, #tpu.memory_space<hbm>> -> memref<16384x128xf32, #tpu.memory_space<hbm>>
      tpu.wait_indirect_dma semaphore(%arg14 : memref<!tpu.dma_semaphore, #tpu.memory_space<semaphore_mem>>) src(%dma_wait3A_286 : memref<16384x128xf32, #tpu.memory_space<hbm>>) dst(%arg8 : memref<128x128xf32, #tpu.memory_space<vmem>>)
      %mul3A_287 = arith.constant 128 : i32
      %mul3A_288 = arith.muli %add3A_279, %mul3A_287 : i32
      %add3A_289 = arith.addi %mul3A_2, %mul3A_288 : i32
      %dma_start3A_290 = arith.constant 0 : i32
      %dma_start3A_291 = tpu.memref_slice %arg4[%add3A_289, %dma_start3A_290] : memref<262144x128xf32, #tpu.memory_space<hbm>> -> memref<128x128xf32, #tpu.memory_space<hbm>>
      %dma_start3A_292 = arith.constant 0 : i32
      %dma_start3A_293 = tpu.memref_slice %arg4[%add3A_289, %dma_start3A_292] : memref<262144x128xf32, #tpu.memory_space<hbm>> -> memref<128x128xf32, #tpu.memory_space<hbm>>
      tpu.enqueue_dma source(%arg8 : memref<128x128xf32, #tpu.memory_space<vmem>>) target(%dma_start3A_293 : memref<128x128xf32, #tpu.memory_space<hbm>>) target_semaphore(%arg20 : memref<!tpu.dma_semaphore, #tpu.memory_space<semaphore_mem>>)
      %dma_wait3A_294 = arith.constant 0 : i32
      %dma_wait3A_295 = tpu.memref_slice %arg4[%mul3A_2, %dma_wait3A_294] : memref<262144x128xf32, #tpu.memory_space<hbm>> -> memref<128x128xf32, #tpu.memory_space<hbm>>
      %dma_wait3A_296 = arith.constant 0 : i32
      %dma_wait3A_297 = tpu.memref_slice %arg4[%mul3A_2, %dma_wait3A_296] : memref<262144x128xf32, #tpu.memory_space<hbm>> -> memref<128x128xf32, #tpu.memory_space<hbm>>
      tpu.wait_dma2 semaphore(%arg23 : memref<!tpu.dma_semaphore, #tpu.memory_space<semaphore_mem>>) src(%arg11 : memref<128x128xf32, #tpu.memory_space<vmem>>) dst(%dma_wait3A_297 : memref<128x128xf32, #tpu.memory_space<hbm>>)
      %add3A_298 = arith.constant 3 : i32
      %add3A_299 = arith.addi %add3A_279, %add3A_298 : i32
      %dma_start3A_300 = arith.constant 0 : i32
      %dma_start3A_301 = tpu.memref_slice %arg5[%add3A_299, %dma_start3A_300] : memref<64x128xi32, #tpu.memory_space<vmem>> -> memref<1x128xi32, #tpu.memory_space<vmem>>
      %dma_start3A_302 = tpu.memref_squeeze %dma_start3A_301 : memref<1x128xi32, #tpu.memory_space<vmem>> -> memref<128xi32, #tpu.memory_space<vmem>>
      %dma_start3A_303 = arith.constant 0 : i32
      %dma_start3A_304 = arith.constant 0 : i32
      %dma_start3A_305 = tpu.memref_slice %arg2[%dma_start3A_303, %dma_start3A_304] : memref<16384x128xf32, #tpu.memory_space<hbm>> -> memref<16384x128xf32, #tpu.memory_space<hbm>>
      tpu.enqueue_indirect_dma source(%dma_start3A_305 : memref<16384x128xf32, #tpu.memory_space<hbm>>) target(%arg11 : memref<128x128xf32, #tpu.memory_space<vmem>>) offsets(%dma_start3A_302 : memref<128xi32, #tpu.memory_space<vmem>>) semaphore(%arg17 : memref<!tpu.dma_semaphore, #tpu.memory_space<semaphore_mem>>)
      %add3A_306 = arith.constant 2 : i32
      %add3A_307 = arith.addi %add3A_249, %add3A_306 : i32
      %dma_wait3A_308 = arith.constant 0 : i32
      %dma_wait3A_309 = arith.constant 0 : i32
      %dma_wait3A_310 = tpu.memref_slice %arg5[%dma_wait3A_308, %dma_wait3A_309] : memref<64x128xi32, #tpu.memory_space<vmem>> -> memref<1x128xi32, #tpu.memory_space<vmem>>
      %dma_wait3A_311 = tpu.memref_squeeze %dma_wait3A_310 : memref<1x128xi32, #tpu.memory_space<vmem>> -> memref<128xi32, #tpu.memory_space<vmem>>
      %dma_wait3A_312 = arith.constant 0 : i32
      %dma_wait3A_313 = arith.constant 0 : i32
      %dma_wait3A_314 = tpu.memref_slice %arg2[%dma_wait3A_312, %dma_wait3A_313] : memref<16384x128xf32, #tpu.memory_space<hbm>> -> memref<16384x128xf32, #tpu.memory_space<hbm>>
      tpu.wait_indirect_dma semaphore(%arg15 : memref<!tpu.dma_semaphore, #tpu.memory_space<semaphore_mem>>) src(%dma_wait3A_314 : memref<16384x128xf32, #tpu.memory_space<hbm>>) dst(%arg9 : memref<128x128xf32, #tpu.memory_space<vmem>>)
      %mul3A_315 = arith.constant 128 : i32
      %mul3A_316 = arith.muli %add3A_307, %mul3A_315 : i32
      %add3A_317 = arith.addi %mul3A_2, %mul3A_316 : i32
      %dma_start3A_318 = arith.constant 0 : i32
      %dma_start3A_319 = tpu.memref_slice %arg4[%add3A_317, %dma_start3A_318] : memref<262144x128xf32, #tpu.memory_space<hbm>> -> memref<128x128xf32, #tpu.memory_space<hbm>>
      %dma_start3A_320 = arith.constant 0 : i32
      %dma_start3A_321 = tpu.memref_slice %arg4[%add3A_317, %dma_start3A_320] : memref<262144x128xf32, #tpu.memory_space<hbm>> -> memref<128x128xf32, #tpu.memory_space<hbm>>
      tpu.enqueue_dma source(%arg9 : memref<128x128xf32, #tpu.memory_space<vmem>>) target(%dma_start3A_321 : memref<128x128xf32, #tpu.memory_space<hbm>>) target_semaphore(%arg21 : memref<!tpu.dma_semaphore, #tpu.memory_space<semaphore_mem>>)
      %dma_wait3A_322 = arith.constant 0 : i32
      %dma_wait3A_323 = tpu.memref_slice %arg4[%mul3A_2, %dma_wait3A_322] : memref<262144x128xf32, #tpu.memory_space<hbm>> -> memref<128x128xf32, #tpu.memory_space<hbm>>
      %dma_wait3A_324 = arith.constant 0 : i32
      %dma_wait3A_325 = tpu.memref_slice %arg4[%mul3A_2, %dma_wait3A_324] : memref<262144x128xf32, #tpu.memory_space<hbm>> -> memref<128x128xf32, #tpu.memory_space<hbm>>
      tpu.wait_dma2 semaphore(%arg18 : memref<!tpu.dma_semaphore, #tpu.memory_space<semaphore_mem>>) src(%arg6 : memref<128x128xf32, #tpu.memory_space<vmem>>) dst(%dma_wait3A_325 : memref<128x128xf32, #tpu.memory_space<hbm>>)
      %add3A_326 = arith.constant 3 : i32
      %add3A_327 = arith.addi %add3A_307, %add3A_326 : i32
      %dma_start3A_328 = arith.constant 0 : i32
      %dma_start3A_329 = tpu.memref_slice %arg5[%add3A_327, %dma_start3A_328] : memref<64x128xi32, #tpu.memory_space<vmem>> -> memref<1x128xi32, #tpu.memory_space<vmem>>
      %dma_start3A_330 = tpu.memref_squeeze %dma_start3A_329 : memref<1x128xi32, #tpu.memory_space<vmem>> -> memref<128xi32, #tpu.memory_space<vmem>>
      %dma_start3A_331 = arith.constant 0 : i32
      %dma_start3A_332 = arith.constant 0 : i32
      %dma_start3A_333 = tpu.memref_slice %arg2[%dma_start3A_331, %dma_start3A_332] : memref<16384x128xf32, #tpu.memory_space<hbm>> -> memref<16384x128xf32, #tpu.memory_space<hbm>>
      tpu.enqueue_indirect_dma source(%dma_start3A_333 : memref<16384x128xf32, #tpu.memory_space<hbm>>) target(%arg6 : memref<128x128xf32, #tpu.memory_space<vmem>>) offsets(%dma_start3A_330 : memref<128xi32, #tpu.memory_space<vmem>>) semaphore(%arg12 : memref<!tpu.dma_semaphore, #tpu.memory_space<semaphore_mem>>)
      %add3A_334 = arith.constant 3 : i32
      %add3A_335 = arith.addi %add3A_249, %add3A_334 : i32
      %dma_wait3A_336 = arith.constant 0 : i32
      %dma_wait3A_337 = arith.constant 0 : i32
      %dma_wait3A_338 = tpu.memref_slice %arg5[%dma_wait3A_336, %dma_wait3A_337] : memref<64x128xi32, #tpu.memory_space<vmem>> -> memref<1x128xi32, #tpu.memory_space<vmem>>
      %dma_wait3A_339 = tpu.memref_squeeze %dma_wait3A_338 : memref<1x128xi32, #tpu.memory_space<vmem>> -> memref<128xi32, #tpu.memory_space<vmem>>
      %dma_wait3A_340 = arith.constant 0 : i32
      %dma_wait3A_341 = arith.constant 0 : i32
      %dma_wait3A_342 = tpu.memref_slice %arg2[%dma_wait3A_340, %dma_wait3A_341] : memref<16384x128xf32, #tpu.memory_space<hbm>> -> memref<16384x128xf32, #tpu.memory_space<hbm>>
      tpu.wait_indirect_dma semaphore(%arg16 : memref<!tpu.dma_semaphore, #tpu.memory_space<semaphore_mem>>) src(%dma_wait3A_342 : memref<16384x128xf32, #tpu.memory_space<hbm>>) dst(%arg10 : memref<128x128xf32, #tpu.memory_space<vmem>>)
      %mul3A_343 = arith.constant 128 : i32
      %mul3A_344 = arith.muli %add3A_335, %mul3A_343 : i32
      %add3A_345 = arith.addi %mul3A_2, %mul3A_344 : i32
      %dma_start3A_346 = arith.constant 0 : i32
      %dma_start3A_347 = tpu.memref_slice %arg4[%add3A_345, %dma_start3A_346] : memref<262144x128xf32, #tpu.memory_space<hbm>> -> memref<128x128xf32, #tpu.memory_space<hbm>>
      %dma_start3A_348 = arith.constant 0 : i32
      %dma_start3A_349 = tpu.memref_slice %arg4[%add3A_345, %dma_start3A_348] : memref<262144x128xf32, #tpu.memory_space<hbm>> -> memref<128x128xf32, #tpu.memory_space<hbm>>
      tpu.enqueue_dma source(%arg10 : memref<128x128xf32, #tpu.memory_space<vmem>>) target(%dma_start3A_349 : memref<128x128xf32, #tpu.memory_space<hbm>>) target_semaphore(%arg22 : memref<!tpu.dma_semaphore, #tpu.memory_space<semaphore_mem>>)
      %dma_wait3A_350 = arith.constant 0 : i32
      %dma_wait3A_351 = tpu.memref_slice %arg4[%mul3A_2, %dma_wait3A_350] : memref<262144x128xf32, #tpu.memory_space<hbm>> -> memref<128x128xf32, #tpu.memory_space<hbm>>
      %dma_wait3A_352 = arith.constant 0 : i32
      %dma_wait3A_353 = tpu.memref_slice %arg4[%mul3A_2, %dma_wait3A_352] : memref<262144x128xf32, #tpu.memory_space<hbm>> -> memref<128x128xf32, #tpu.memory_space<hbm>>
      tpu.wait_dma2 semaphore(%arg19 : memref<!tpu.dma_semaphore, #tpu.memory_space<semaphore_mem>>) src(%arg7 : memref<128x128xf32, #tpu.memory_space<vmem>>) dst(%dma_wait3A_353 : memref<128x128xf32, #tpu.memory_space<hbm>>)
      %add3A_354 = arith.constant 3 : i32
      %add3A_355 = arith.addi %add3A_335, %add3A_354 : i32
      %dma_start3A_356 = arith.constant 0 : i32
      %dma_start3A_357 = tpu.memref_slice %arg5[%add3A_355, %dma_start3A_356] : memref<64x128xi32, #tpu.memory_space<vmem>> -> memref<1x128xi32, #tpu.memory_space<vmem>>
      %dma_start3A_358 = tpu.memref_squeeze %dma_start3A_357 : memref<1x128xi32, #tpu.memory_space<vmem>> -> memref<128xi32, #tpu.memory_space<vmem>>
      %dma_start3A_359 = arith.constant 0 : i32
      %dma_start3A_360 = arith.constant 0 : i32
      %dma_start3A_361 = tpu.memref_slice %arg2[%dma_start3A_359, %dma_start3A_360] : memref<16384x128xf32, #tpu.memory_space<hbm>> -> memref<16384x128xf32, #tpu.memory_space<hbm>>
      tpu.enqueue_indirect_dma source(%dma_start3A_361 : memref<16384x128xf32, #tpu.memory_space<hbm>>) target(%arg7 : memref<128x128xf32, #tpu.memory_space<vmem>>) offsets(%dma_start3A_358 : memref<128xi32, #tpu.memory_space<vmem>>) semaphore(%arg13 : memref<!tpu.dma_semaphore, #tpu.memory_space<semaphore_mem>>)
      %add3A_362 = arith.constant 4 : i32
      %add3A_363 = arith.addi %add3A_249, %add3A_362 : i32
      %dma_wait3A_364 = arith.constant 0 : i32
      %dma_wait3A_365 = arith.constant 0 : i32
      %dma_wait3A_366 = tpu.memref_slice %arg5[%dma_wait3A_364, %dma_wait3A_365] : memref<64x128xi32, #tpu.memory_space<vmem>> -> memref<1x128xi32, #tpu.memory_space<vmem>>
      %dma_wait3A_367 = tpu.memref_squeeze %dma_wait3A_366 : memref<1x128xi32, #tpu.memory_space<vmem>> -> memref<128xi32, #tpu.memory_space<vmem>>
      %dma_wait3A_368 = arith.constant 0 : i32
      %dma_wait3A_369 = arith.constant 0 : i32
      %dma_wait3A_370 = tpu.memref_slice %arg2[%dma_wait3A_368, %dma_wait3A_369] : memref<16384x128xf32, #tpu.memory_space<hbm>> -> memref<16384x128xf32, #tpu.memory_space<hbm>>
      tpu.wait_indirect_dma semaphore(%arg17 : memref<!tpu.dma_semaphore, #tpu.memory_space<semaphore_mem>>) src(%dma_wait3A_370 : memref<16384x128xf32, #tpu.memory_space<hbm>>) dst(%arg11 : memref<128x128xf32, #tpu.memory_space<vmem>>)
      %mul3A_371 = arith.constant 128 : i32
      %mul3A_372 = arith.muli %add3A_363, %mul3A_371 : i32
      %add3A_373 = arith.addi %mul3A_2, %mul3A_372 : i32
      %dma_start3A_374 = arith.constant 0 : i32
      %dma_start3A_375 = tpu.memref_slice %arg4[%add3A_373, %dma_start3A_374] : memref<262144x128xf32, #tpu.memory_space<hbm>> -> memref<128x128xf32, #tpu.memory_space<hbm>>
      %dma_start3A_376 = arith.constant 0 : i32
      %dma_start3A_377 = tpu.memref_slice %arg4[%add3A_373, %dma_start3A_376] : memref<262144x128xf32, #tpu.memory_space<hbm>> -> memref<128x128xf32, #tpu.memory_space<hbm>>
      tpu.enqueue_dma source(%arg11 : memref<128x128xf32, #tpu.memory_space<vmem>>) target(%dma_start3A_377 : memref<128x128xf32, #tpu.memory_space<hbm>>) target_semaphore(%arg23 : memref<!tpu.dma_semaphore, #tpu.memory_space<semaphore_mem>>)
      %dma_wait3A_378 = arith.constant 0 : i32
      %dma_wait3A_379 = tpu.memref_slice %arg4[%mul3A_2, %dma_wait3A_378] : memref<262144x128xf32, #tpu.memory_space<hbm>> -> memref<128x128xf32, #tpu.memory_space<hbm>>
      %dma_wait3A_380 = arith.constant 0 : i32
      %dma_wait3A_381 = tpu.memref_slice %arg4[%mul3A_2, %dma_wait3A_380] : memref<262144x128xf32, #tpu.memory_space<hbm>> -> memref<128x128xf32, #tpu.memory_space<hbm>>
      tpu.wait_dma2 semaphore(%arg20 : memref<!tpu.dma_semaphore, #tpu.memory_space<semaphore_mem>>) src(%arg8 : memref<128x128xf32, #tpu.memory_space<vmem>>) dst(%dma_wait3A_381 : memref<128x128xf32, #tpu.memory_space<hbm>>)
      %add3A_382 = arith.constant 3 : i32
      %add3A_383 = arith.addi %add3A_363, %add3A_382 : i32
      %dma_start3A_384 = arith.constant 0 : i32
      %dma_start3A_385 = tpu.memref_slice %arg5[%add3A_383, %dma_start3A_384] : memref<64x128xi32, #tpu.memory_space<vmem>> -> memref<1x128xi32, #tpu.memory_space<vmem>>
      %dma_start3A_386 = tpu.memref_squeeze %dma_start3A_385 : memref<1x128xi32, #tpu.memory_space<vmem>> -> memref<128xi32, #tpu.memory_space<vmem>>
      %dma_start3A_387 = arith.constant 0 : i32
      %dma_start3A_388 = arith.constant 0 : i32
      %dma_start3A_389 = tpu.memref_slice %arg2[%dma_start3A_387, %dma_start3A_388] : memref<16384x128xf32, #tpu.memory_space<hbm>> -> memref<16384x128xf32, #tpu.memory_space<hbm>>
      tpu.enqueue_indirect_dma source(%dma_start3A_389 : memref<16384x128xf32, #tpu.memory_space<hbm>>) target(%arg8 : memref<128x128xf32, #tpu.memory_space<vmem>>) offsets(%dma_start3A_386 : memref<128xi32, #tpu.memory_space<vmem>>) semaphore(%arg14 : memref<!tpu.dma_semaphore, #tpu.memory_space<semaphore_mem>>)
      %add3A_390 = arith.constant 5 : i32
      %add3A_391 = arith.addi %add3A_249, %add3A_390 : i32
      %dma_wait3A_392 = arith.constant 0 : i32
      %dma_wait3A_393 = arith.constant 0 : i32
      %dma_wait3A_394 = tpu.memref_slice %arg5[%dma_wait3A_392, %dma_wait3A_393] : memref<64x128xi32, #tpu.memory_space<vmem>> -> memref<1x128xi32, #tpu.memory_space<vmem>>
      %dma_wait3A_395 = tpu.memref_squeeze %dma_wait3A_394 : memref<1x128xi32, #tpu.memory_space<vmem>> -> memref<128xi32, #tpu.memory_space<vmem>>
      %dma_wait3A_396 = arith.constant 0 : i32
      %dma_wait3A_397 = arith.constant 0 : i32
      %dma_wait3A_398 = tpu.memref_slice %arg2[%dma_wait3A_396, %dma_wait3A_397] : memref<16384x128xf32, #tpu.memory_space<hbm>> -> memref<16384x128xf32, #tpu.memory_space<hbm>>
      tpu.wait_indirect_dma semaphore(%arg12 : memref<!tpu.dma_semaphore, #tpu.memory_space<semaphore_mem>>) src(%dma_wait3A_398 : memref<16384x128xf32, #tpu.memory_space<hbm>>) dst(%arg6 : memref<128x128xf32, #tpu.memory_space<vmem>>)
      %mul3A_399 = arith.constant 128 : i32
      %mul3A_400 = arith.muli %add3A_391, %mul3A_399 : i32
      %add3A_401 = arith.addi %mul3A_2, %mul3A_400 : i32
      %dma_start3A_402 = arith.constant 0 : i32
      %dma_start3A_403 = tpu.memref_slice %arg4[%add3A_401, %dma_start3A_402] : memref<262144x128xf32, #tpu.memory_space<hbm>> -> memref<128x128xf32, #tpu.memory_space<hbm>>
      %dma_start3A_404 = arith.constant 0 : i32
      %dma_start3A_405 = tpu.memref_slice %arg4[%add3A_401, %dma_start3A_404] : memref<262144x128xf32, #tpu.memory_space<hbm>> -> memref<128x128xf32, #tpu.memory_space<hbm>>
      tpu.enqueue_dma source(%arg6 : memref<128x128xf32, #tpu.memory_space<vmem>>) target(%dma_start3A_405 : memref<128x128xf32, #tpu.memory_space<hbm>>) target_semaphore(%arg18 : memref<!tpu.dma_semaphore, #tpu.memory_space<semaphore_mem>>)
      %dma_wait3A_406 = arith.constant 0 : i32
      %dma_wait3A_407 = tpu.memref_slice %arg4[%mul3A_2, %dma_wait3A_406] : memref<262144x128xf32, #tpu.memory_space<hbm>> -> memref<128x128xf32, #tpu.memory_space<hbm>>
      %dma_wait3A_408 = arith.constant 0 : i32
      %dma_wait3A_409 = tpu.memref_slice %arg4[%mul3A_2, %dma_wait3A_408] : memref<262144x128xf32, #tpu.memory_space<hbm>> -> memref<128x128xf32, #tpu.memory_space<hbm>>
      tpu.wait_dma2 semaphore(%arg21 : memref<!tpu.dma_semaphore, #tpu.memory_space<semaphore_mem>>) src(%arg9 : memref<128x128xf32, #tpu.memory_space<vmem>>) dst(%dma_wait3A_409 : memref<128x128xf32, #tpu.memory_space<hbm>>)
      %add3A_410 = arith.constant 3 : i32
      %add3A_411 = arith.addi %add3A_391, %add3A_410 : i32
      %dma_start3A_412 = arith.constant 0 : i32
      %dma_start3A_413 = tpu.memref_slice %arg5[%add3A_411, %dma_start3A_412] : memref<64x128xi32, #tpu.memory_space<vmem>> -> memref<1x128xi32, #tpu.memory_space<vmem>>
      %dma_start3A_414 = tpu.memref_squeeze %dma_start3A_413 : memref<1x128xi32, #tpu.memory_space<vmem>> -> memref<128xi32, #tpu.memory_space<vmem>>
      %dma_start3A_415 = arith.constant 0 : i32
      %dma_start3A_416 = arith.constant 0 : i32
      %dma_start3A_417 = tpu.memref_slice %arg2[%dma_start3A_415, %dma_start3A_416] : memref<16384x128xf32, #tpu.memory_space<hbm>> -> memref<16384x128xf32, #tpu.memory_space<hbm>>
      tpu.enqueue_indirect_dma source(%dma_start3A_417 : memref<16384x128xf32, #tpu.memory_space<hbm>>) target(%arg9 : memref<128x128xf32, #tpu.memory_space<vmem>>) offsets(%dma_start3A_414 : memref<128xi32, #tpu.memory_space<vmem>>) semaphore(%arg15 : memref<!tpu.dma_semaphore, #tpu.memory_space<semaphore_mem>>)
    }
    %scan3A_181 = arith.constant 9 : i32
    %dma_wait3A_182 = arith.constant 0 : i32
    %dma_wait3A_183 = arith.constant 0 : i32
    %dma_wait3A_184 = tpu.memref_slice %arg5[%dma_wait3A_182, %dma_wait3A_183] : memref<64x128xi32, #tpu.memory_space<vmem>> -> memref<1x128xi32, #tpu.memory_space<vmem>>
    %dma_wait3A_185 = tpu.memref_squeeze %dma_wait3A_184 : memref<1x128xi32, #tpu.memory_space<vmem>> -> memref<128xi32, #tpu.memory_space<vmem>>
    %dma_wait3A_186 = arith.constant 0 : i32
    %dma_wait3A_187 = arith.constant 0 : i32
    %dma_wait3A_188 = tpu.memref_slice %arg2[%dma_wait3A_186, %dma_wait3A_187] : memref<16384x128xf32, #tpu.memory_space<hbm>> -> memref<16384x128xf32, #tpu.memory_space<hbm>>
    tpu.wait_indirect_dma semaphore(%arg13 : memref<!tpu.dma_semaphore, #tpu.memory_space<semaphore_mem>>) src(%dma_wait3A_188 : memref<16384x128xf32, #tpu.memory_space<hbm>>) dst(%arg7 : memref<128x128xf32, #tpu.memory_space<vmem>>)
    %add3A_189 = arith.constant 7808 : i32
    %add3A_190 = arith.addi %mul3A_2, %add3A_189 : i32
    %dma_start3A_191 = arith.constant 0 : i32
    %dma_start3A_192 = tpu.memref_slice %arg4[%add3A_190, %dma_start3A_191] : memref<262144x128xf32, #tpu.memory_space<hbm>> -> memref<128x128xf32, #tpu.memory_space<hbm>>
    %dma_start3A_193 = arith.constant 0 : i32
    %dma_start3A_194 = tpu.memref_slice %arg4[%add3A_190, %dma_start3A_193] : memref<262144x128xf32, #tpu.memory_space<hbm>> -> memref<128x128xf32, #tpu.memory_space<hbm>>
    tpu.enqueue_dma source(%arg7 : memref<128x128xf32, #tpu.memory_space<vmem>>) target(%dma_start3A_194 : memref<128x128xf32, #tpu.memory_space<hbm>>) target_semaphore(%arg19 : memref<!tpu.dma_semaphore, #tpu.memory_space<semaphore_mem>>)
    %dma_wait3A_195 = arith.constant 0 : i32
    %dma_wait3A_196 = arith.constant 0 : i32
    %dma_wait3A_197 = tpu.memref_slice %arg5[%dma_wait3A_195, %dma_wait3A_196] : memref<64x128xi32, #tpu.memory_space<vmem>> -> memref<1x128xi32, #tpu.memory_space<vmem>>
    %dma_wait3A_198 = tpu.memref_squeeze %dma_wait3A_197 : memref<1x128xi32, #tpu.memory_space<vmem>> -> memref<128xi32, #tpu.memory_space<vmem>>
    %dma_wait3A_199 = arith.constant 0 : i32
    %dma_wait3A_200 = arith.constant 0 : i32
    %dma_wait3A_201 = tpu.memref_slice %arg2[%dma_wait3A_199, %dma_wait3A_200] : memref<16384x128xf32, #tpu.memory_space<hbm>> -> memref<16384x128xf32, #tpu.memory_space<hbm>>
    tpu.wait_indirect_dma semaphore(%arg14 : memref<!tpu.dma_semaphore, #tpu.memory_space<semaphore_mem>>) src(%dma_wait3A_201 : memref<16384x128xf32, #tpu.memory_space<hbm>>) dst(%arg8 : memref<128x128xf32, #tpu.memory_space<vmem>>)
    %add3A_202 = arith.constant 7936 : i32
    %add3A_203 = arith.addi %mul3A_2, %add3A_202 : i32
    %dma_start3A_204 = arith.constant 0 : i32
    %dma_start3A_205 = tpu.memref_slice %arg4[%add3A_203, %dma_start3A_204] : memref<262144x128xf32, #tpu.memory_space<hbm>> -> memref<128x128xf32, #tpu.memory_space<hbm>>
    %dma_start3A_206 = arith.constant 0 : i32
    %dma_start3A_207 = tpu.memref_slice %arg4[%add3A_203, %dma_start3A_206] : memref<262144x128xf32, #tpu.memory_space<hbm>> -> memref<128x128xf32, #tpu.memory_space<hbm>>
    tpu.enqueue_dma source(%arg8 : memref<128x128xf32, #tpu.memory_space<vmem>>) target(%dma_start3A_207 : memref<128x128xf32, #tpu.memory_space<hbm>>) target_semaphore(%arg20 : memref<!tpu.dma_semaphore, #tpu.memory_space<semaphore_mem>>)
    %dma_wait3A_208 = arith.constant 0 : i32
    %dma_wait3A_209 = arith.constant 0 : i32
    %dma_wait3A_210 = tpu.memref_slice %arg5[%dma_wait3A_208, %dma_wait3A_209] : memref<64x128xi32, #tpu.memory_space<vmem>> -> memref<1x128xi32, #tpu.memory_space<vmem>>
    %dma_wait3A_211 = tpu.memref_squeeze %dma_wait3A_210 : memref<1x128xi32, #tpu.memory_space<vmem>> -> memref<128xi32, #tpu.memory_space<vmem>>
    %dma_wait3A_212 = arith.constant 0 : i32
    %dma_wait3A_213 = arith.constant 0 : i32
    %dma_wait3A_214 = tpu.memref_slice %arg2[%dma_wait3A_212, %dma_wait3A_213] : memref<16384x128xf32, #tpu.memory_space<hbm>> -> memref<16384x128xf32, #tpu.memory_space<hbm>>
    tpu.wait_indirect_dma semaphore(%arg15 : memref<!tpu.dma_semaphore, #tpu.memory_space<semaphore_mem>>) src(%dma_wait3A_214 : memref<16384x128xf32, #tpu.memory_space<hbm>>) dst(%arg9 : memref<128x128xf32, #tpu.memory_space<vmem>>)
    %add3A_215 = arith.constant 8064 : i32
    %add3A_216 = arith.addi %mul3A_2, %add3A_215 : i32
    %dma_start3A_217 = arith.constant 0 : i32
    %dma_start3A_218 = tpu.memref_slice %arg4[%add3A_216, %dma_start3A_217] : memref<262144x128xf32, #tpu.memory_space<hbm>> -> memref<128x128xf32, #tpu.memory_space<hbm>>
    %dma_start3A_219 = arith.constant 0 : i32
    %dma_start3A_220 = tpu.memref_slice %arg4[%add3A_216, %dma_start3A_219] : memref<262144x128xf32, #tpu.memory_space<hbm>> -> memref<128x128xf32, #tpu.memory_space<hbm>>
    tpu.enqueue_dma source(%arg9 : memref<128x128xf32, #tpu.memory_space<vmem>>) target(%dma_start3A_220 : memref<128x128xf32, #tpu.memory_space<hbm>>) target_semaphore(%arg21 : memref<!tpu.dma_semaphore, #tpu.memory_space<semaphore_mem>>)
    %dma_wait3A_221 = arith.constant 0 : i32
    %dma_wait3A_222 = tpu.memref_slice %arg4[%mul3A_2, %dma_wait3A_221] : memref<262144x128xf32, #tpu.memory_space<hbm>> -> memref<128x128xf32, #tpu.memory_space<hbm>>
    %dma_wait3A_223 = arith.constant 0 : i32
    %dma_wait3A_224 = tpu.memref_slice %arg4[%mul3A_2, %dma_wait3A_223] : memref<262144x128xf32, #tpu.memory_space<hbm>> -> memref<128x128xf32, #tpu.memory_space<hbm>>
    tpu.wait_dma2 semaphore(%arg18 : memref<!tpu.dma_semaphore, #tpu.memory_space<semaphore_mem>>) src(%arg6 : memref<128x128xf32, #tpu.memory_space<vmem>>) dst(%dma_wait3A_224 : memref<128x128xf32, #tpu.memory_space<hbm>>)
    %dma_wait3A_225 = arith.constant 0 : i32
    %dma_wait3A_226 = tpu.memref_slice %arg4[%mul3A_2, %dma_wait3A_225] : memref<262144x128xf32, #tpu.memory_space<hbm>> -> memref<128x128xf32, #tpu.memory_space<hbm>>
    %dma_wait3A_227 = arith.constant 0 : i32
    %dma_wait3A_228 = tpu.memref_slice %arg4[%mul3A_2, %dma_wait3A_227] : memref<262144x128xf32, #tpu.memory_space<hbm>> -> memref<128x128xf32, #tpu.memory_space<hbm>>
    tpu.wait_dma2 semaphore(%arg19 : memref<!tpu.dma_semaphore, #tpu.memory_space<semaphore_mem>>) src(%arg7 : memref<128x128xf32, #tpu.memory_space<vmem>>) dst(%dma_wait3A_228 : memref<128x128xf32, #tpu.memory_space<hbm>>)
    %dma_wait3A_229 = arith.constant 0 : i32
    %dma_wait3A_230 = tpu.memref_slice %arg4[%mul3A_2, %dma_wait3A_229] : memref<262144x128xf32, #tpu.memory_space<hbm>> -> memref<128x128xf32, #tpu.memory_space<hbm>>
    %dma_wait3A_231 = arith.constant 0 : i32
    %dma_wait3A_232 = tpu.memref_slice %arg4[%mul3A_2, %dma_wait3A_231] : memref<262144x128xf32, #tpu.memory_space<hbm>> -> memref<128x128xf32, #tpu.memory_space<hbm>>
    tpu.wait_dma2 semaphore(%arg20 : memref<!tpu.dma_semaphore, #tpu.memory_space<semaphore_mem>>) src(%arg8 : memref<128x128xf32, #tpu.memory_space<vmem>>) dst(%dma_wait3A_232 : memref<128x128xf32, #tpu.memory_space<hbm>>)
    %dma_wait3A_233 = arith.constant 0 : i32
    %dma_wait3A_234 = tpu.memref_slice %arg4[%mul3A_2, %dma_wait3A_233] : memref<262144x128xf32, #tpu.memory_space<hbm>> -> memref<128x128xf32, #tpu.memory_space<hbm>>
    %dma_wait3A_235 = arith.constant 0 : i32
    %dma_wait3A_236 = tpu.memref_slice %arg4[%mul3A_2, %dma_wait3A_235] : memref<262144x128xf32, #tpu.memory_space<hbm>> -> memref<128x128xf32, #tpu.memory_space<hbm>>
    tpu.wait_dma2 semaphore(%arg21 : memref<!tpu.dma_semaphore, #tpu.memory_space<semaphore_mem>>) src(%arg9 : memref<128x128xf32, #tpu.memory_space<vmem>>) dst(%dma_wait3A_236 : memref<128x128xf32, #tpu.memory_space<hbm>>)
    %dma_wait3A_237 = arith.constant 0 : i32
    %dma_wait3A_238 = tpu.memref_slice %arg4[%mul3A_2, %dma_wait3A_237] : memref<262144x128xf32, #tpu.memory_space<hbm>> -> memref<128x128xf32, #tpu.memory_space<hbm>>
    %dma_wait3A_239 = arith.constant 0 : i32
    %dma_wait3A_240 = tpu.memref_slice %arg4[%mul3A_2, %dma_wait3A_239] : memref<262144x128xf32, #tpu.memory_space<hbm>> -> memref<128x128xf32, #tpu.memory_space<hbm>>
    tpu.wait_dma2 semaphore(%arg22 : memref<!tpu.dma_semaphore, #tpu.memory_space<semaphore_mem>>) src(%arg10 : memref<128x128xf32, #tpu.memory_space<vmem>>) dst(%dma_wait3A_240 : memref<128x128xf32, #tpu.memory_space<hbm>>)
    %dma_wait3A_241 = arith.constant 0 : i32
    %dma_wait3A_242 = tpu.memref_slice %arg4[%mul3A_2, %dma_wait3A_241] : memref<262144x128xf32, #tpu.memory_space<hbm>> -> memref<128x128xf32, #tpu.memory_space<hbm>>
    %dma_wait3A_243 = arith.constant 0 : i32
    %dma_wait3A_244 = tpu.memref_slice %arg4[%mul3A_2, %dma_wait3A_243] : memref<262144x128xf32, #tpu.memory_space<hbm>> -> memref<128x128xf32, #tpu.memory_space<hbm>>
    tpu.wait_dma2 semaphore(%arg23 : memref<!tpu.dma_semaphore, #tpu.memory_space<semaphore_mem>>) src(%arg11 : memref<128x128xf32, #tpu.memory_space<vmem>>) dst(%dma_wait3A_244 : memref<128x128xf32, #tpu.memory_space<hbm>>)
    return
  }
}

module attributes {stable_mosaic.version = 14 : i64} {
  func.func @_table_body(%arg0: i32, %arg1: memref<128x16xf32, #tpu.memory_space<vmem>>, %arg2: memref<1x1x128xf32, #tpu.memory_space<vmem>>, %arg3: memref<2048x128xf32, #tpu.memory_space<vmem>>, %arg4: memref<2048x128xf32, #tpu.memory_space<vmem>>) attributes {dimension_semantics = [#tpu.dimension_semantics<arbitrary>], iteration_bounds = array<i64: 8>, scalar_prefetch = 0 : i64, scratch_operands = 1 : i64, tpu.core_type = #tpu.core_type<tc>, window_params = [{pipeline_mode = #tpu.pipeline_mode<synchronous>, transform_indices = @transform_0, window_bounds = array<i64: 128, 16>}, {transform_indices = @transform_1, window_bounds = array<i64: 1, 1, 128>}, {transform_indices = @transform_2, window_bounds = array<i64: 2048, 128>}]} {
    %eq3A = arith.constant 0 : i32
    %eq3A_0 = arith.cmpi eq, %arg0, %eq3A : i32
    %convert_element_type3A = arith.extui %eq3A_0 : i1 to i32
    %cond3A = arith.constant 0 : i32
    %cond3A_1 = arith.cmpi ne, %convert_element_type3A, %cond3A : i32
    scf.if %cond3A_1 {
      %iota3A = tpu.iota {dimensions = array<i32: 1>} : vector<1x2048xi32>
      %convert_element_type3A_12 = arith.sitofp %iota3A : vector<1x2048xi32> to vector<1x2048xf32>
      %div3A = arith.constant 2.047000e+03 : f32
      %div3A_13 = vector.broadcast %div3A : f32 to vector<1x2048xf32>
      %div3A_14 = arith.divf %convert_element_type3A_12, %div3A_13 : vector<1x2048xf32>
      %mul3A = arith.constant 2.000000e+00 : f32
      %mul3A_15 = vector.broadcast %mul3A : f32 to vector<1x2048xf32>
      %mul3A_16 = arith.mulf %div3A_14, %mul3A_15 : vector<1x2048xf32>
      %sub3A = arith.constant 1.000000e+00 : f32
      %sub3A_17 = vector.broadcast %sub3A : f32 to vector<1x2048xf32>
      %sub3A_18 = arith.subf %mul3A_16, %sub3A_17 : vector<1x2048xf32>
      %iota3A_19 = tpu.iota {dimensions = array<i32: 0>} : vector<16x2048xi32>
      %iota3A_20 = tpu.iota {dimensions = array<i32: 0>} : vector<16x1xi32>
      %sub3A_21 = arith.constant 1 : i32
      %sub3A_22 = vector.broadcast %sub3A_21 : i32 to vector<16x1xi32>
      %sub3A_23 = arith.subi %iota3A_20, %sub3A_22 : vector<16x1xi32>
      %shift_right_arithmetic3A = arith.constant 1 : i32
      %shift_right_arithmetic3A_24 = vector.broadcast %shift_right_arithmetic3A : i32 to vector<16x1xi32>
      %shift_right_arithmetic3A_25 = arith.shrsi %sub3A_23, %shift_right_arithmetic3A_24 : vector<16x1xi32>
      %max3A = arith.constant 0 : i32
      %max3A_26 = vector.broadcast %max3A : i32 to vector<16x1xi32>
      %max3A_27 = arith.maxsi %shift_right_arithmetic3A_25, %max3A_26 : vector<16x1xi32>
      %shift_left3A = arith.constant 1 : i32
      %shift_left3A_28 = vector.broadcast %shift_left3A : i32 to vector<16x1xi32>
      %shift_left3A_29 = arith.shli %shift_left3A_28, %max3A_27 : vector<16x1xi32>
      %convert_element_type3A_30 = arith.sitofp %shift_left3A_29 : vector<16x1xi32> to vector<16x1xf32>
      %mul3A_31 = vector.broadcast %sub3A_18 : vector<1x2048xf32> to vector<16x2048xf32>
      %mul3A_32 = vector.broadcast %convert_element_type3A_30 : vector<16x1xf32> to vector<16x2048xf32>
      %mul3A_33 = arith.mulf %mul3A_31, %mul3A_32 : vector<16x2048xf32>
      %and3A = arith.constant 1 : i32
      %and3A_34 = vector.broadcast %and3A : i32 to vector<16x2048xi32>
      %and3A_35 = arith.andi %iota3A_19, %and3A_34 : vector<16x2048xi32>
      %eq3A_36 = arith.constant 1 : i32
      %eq3A_37 = vector.broadcast %eq3A_36 : i32 to vector<16x2048xi32>
      %eq3A_38 = arith.cmpi eq, %and3A_35, %eq3A_37 : vector<16x2048xi32>
      %sin3A = math.sin %mul3A_33 : vector<16x2048xf32>
      %cos3A = math.cos %mul3A_33 : vector<16x2048xf32>
      %select_n3A = arith.select %eq3A_38, %sin3A, %cos3A : vector<16x2048xi1>, vector<16x2048xf32>
      %eq3A_39 = arith.constant 0 : i32
      %eq3A_40 = vector.broadcast %eq3A_39 : i32 to vector<16x2048xi32>
      %eq3A_41 = arith.cmpi eq, %iota3A_19, %eq3A_40 : vector<16x2048xi32>
      %broadcast_in_dim3A = vector.shape_cast %sub3A_18 : vector<1x2048xf32> to vector<1x2048xf32>
      %broadcast_in_dim3A_42 = vector.broadcast %broadcast_in_dim3A : vector<1x2048xf32> to vector<16x2048xf32>
      %select_n3A_43 = arith.select %eq3A_41, %broadcast_in_dim3A_42, %select_n3A : vector<16x2048xi1>, vector<16x2048xf32>
      %eq3A_44 = arith.constant 13 : i32
      %eq3A_45 = vector.broadcast %eq3A_44 : i32 to vector<16x2048xi32>
      %eq3A_46 = arith.cmpi eq, %iota3A_19, %eq3A_45 : vector<16x2048xi32>
      %jit3A = arith.constant 1.000000e+00 : f32
      %broadcast_in_dim3A_47 = vector.broadcast %jit3A : f32 to vector<16x2048xf32>
      %select_n3A_48 = arith.select %eq3A_46, %broadcast_in_dim3A_47, %select_n3A_43 : vector<16x2048xi1>, vector<16x2048xf32>
      %gt3A = arith.constant 13 : i32
      %gt3A_49 = vector.broadcast %gt3A : i32 to vector<16x2048xi32>
      %gt3A_50 = arith.cmpi sgt, %iota3A_19, %gt3A_49 : vector<16x2048xi32>
      %jit3A_51 = arith.constant 0.000000e+00 : f32
      %broadcast_in_dim3A_52 = vector.broadcast %jit3A_51 : f32 to vector<16x2048xf32>
      %select_n3A_53 = arith.select %gt3A_50, %broadcast_in_dim3A_52, %select_n3A_48 : vector<16x2048xi1>, vector<16x2048xf32>
      %get3A_54 = arith.constant 0 : index
      %get3A_55 = arith.constant 0 : index
      %get3A_56 = vector.load %arg1[%get3A_54, %get3A_55] : memref<128x16xf32, #tpu.memory_space<vmem>>, vector<128x16xf32>
      %dot_general3A = arith.constant dense<0.000000e+00> : vector<2048x128xf32>
      %dot_general3A_57 = tpu.matmul %select_n3A_53, %get3A_56, %dot_general3A {dimension_numbers = #tpu.dot_dimension_numbers<[0], [1], [1], [0], [0, 1, 1, 0], [], []>, precision = #tpu.contract_precision<fp32>, transpose_lhs_hint = false} : vector<16x2048xf32>, vector<128x16xf32>, vector<2048x128xf32> -> vector<2048x128xf32>
      %swap3A_58 = arith.constant 0 : index
      %swap3A_59 = arith.constant 0 : index
      %swap3A_60 = vector.load %arg4[%swap3A_58, %swap3A_59] : memref<2048x128xf32, #tpu.memory_space<vmem>>, vector<2048x128xf32>
      tpu.vector_store %arg4[%swap3A_58, %swap3A_59], %dot_general3A_57 {strides = array<i32>} : memref<2048x128xf32, #tpu.memory_space<vmem>>, vector<2048x128xf32>,
    } else {
    }
    %get3A = arith.constant 0 : index
    %get3A_2 = arith.constant 0 : index
    %get3A_3 = vector.load %arg4[%get3A, %get3A_2] : memref<2048x128xf32, #tpu.memory_space<vmem>>, vector<2048x128xf32>
    %get3A_4 = arith.constant 0 : index
    %get3A_5 = arith.constant 0 : index
    %get3A_6 = arith.constant 0 : index
    %get3A_7 = vector.load %arg2[%get3A_4, %get3A_5, %get3A_6] : memref<1x1x128xf32, #tpu.memory_space<vmem>>, vector<1x1x128xf32>
    %get3A_8 = vector.shape_cast %get3A_7 : vector<1x1x128xf32> to vector<1x128xf32>
    %add3A = vector.broadcast %get3A_8 : vector<1x128xf32> to vector<2048x128xf32>
    %add3A_9 = arith.addf %get3A_3, %add3A : vector<2048x128xf32>
    %swap3A = arith.constant 0 : index
    %swap3A_10 = arith.constant 0 : index
    %swap3A_11 = vector.load %arg3[%swap3A, %swap3A_10] : memref<2048x128xf32, #tpu.memory_space<vmem>>, vector<2048x128xf32>
    tpu.vector_store %arg3[%swap3A, %swap3A_10], %add3A_9 {strides = array<i32>} : memref<2048x128xf32, #tpu.memory_space<vmem>>, vector<2048x128xf32>,
    return
  }
  func.func @transform_0(%arg0: i32) -> (i32, i32) {
    %c0_i32 = arith.constant 0 : i32
    %c0_i32_0 = arith.constant 0 : i32
    %c0_i32_1 = arith.constant 0 : i32
    return %c0_i32, %c0_i32_0 : i32, i32
  }
  func.func @transform_1(%arg0: i32) -> (i32, i32, i32) {
    %c0_i32 = arith.constant 0 : i32
    %c0_i32_0 = arith.constant 0 : i32
    %c0_i32_1 = arith.constant 0 : i32
    return %arg0, %c0_i32, %c0_i32_0 : i32, i32, i32
  }
  func.func @transform_2(%arg0: i32) -> (i32, i32) {
    %c0_i32 = arith.constant 0 : i32
    %c0_i32_0 = arith.constant 0 : i32
    return %arg0, %c0_i32 : i32, i32
  }
}

</mosaic_0001>

<sc_bundles>
// kernel: kernel.4.cloned.1.call-start
scs
__scs_entry_jumppad:
0x0: {  	(pc) =	sbr.rel $0x88, $3  }
0x1: {  	(tag) =	ssettag $0x0;
	lr =	simm.s32 $0x1  }
0x2: {  	[smem:$0x3F9D] =	sst lr;
	_ =	strace $0xD0000000  }
0x3: {  	_ = 	snop  }
0x4: {  	_ = 	snop  }
0x5: {  	_ = 	snop  }
0x6: {  	_ = 	snop  }
0x7: {  	_ = 	snop  }
__scs_overlays_trampoline_lowered:
0x8: {  	[smem:$0x3FAC] =	sst s0  }
0x9: {  	[smem:$0x3FAD] =	sst s1  }
0xa: {  	[smem:$0x3FAE] =	sst s2  }
0xb: {  	[smem:$0x3FAF] =	sst s3  }
0xc: {  	[smem:$0x3FB0] =	sst s4  }
0xd: {  	[smem:$0x3FB1] =	sst s5  }
0xe: {  	[smem:$0x3FB2] =	sst s6  }
0xf: {  	[smem:$0x3FB3] =	sst s7  }
0x10: {  	[smem:$0x3FB4] =	sst s8  }
0x11: {  	[smem:$0x3FB5] =	sst s9;
	s0 =	simm.s32 @!p0 $0x0  }
0x12: {  	s1 =	sld [smem:$0x3F9B];
	s0 =	simm.s32 @p0 $0x1  }
0x13: {  	[smem:$0x3FB6] =	sst s0;
	s0 =	simm.s32 @!p1 $0x0  }
0x14: {  	s2 =	sld [smem:$0x3F9A];
	s0 =	simm.s32 @p1 $0x1  }
0x15: {  	[smem:$0x3FB7] =	sst s0;
	s0 =	simm.s32 @!p2 $0x0  }
0x16: {  	s3 =	sld [smem:$0x3FDB];
	s0 =	simm.s32 @p2 $0x1  }
0x17: {  	s4 =	simm.s32 $0x1BF5;
	[smem:$0x3FB9] =	sst s0  }
0x18: {  	s0 =	sld [smem:$0x3F9C];
	_ =	swait.ge [sflag:s4], $0x0  }
0x19: {  	s7 =	sld [smem:$0x3F9D]  }
0x1a: {  	s8 =	sadd.s32 $0xFFFFE003, lr  }
0x1b: {  	s9 =	sadd.s32 $0xFFFFFEF7, lr;
	s5 =	simm.s32 $0xFFFFFFFF;
	p2 =	slt.u32 s8, $0xFFFFF086  }
0x1c: {  	p1 =	slt.u32 s9, $0xF7A;
	s5 =	simm.s32 @!p2 $0x0  }
0x1d: {  	s5 =	simm.s32 @p1 $0x1;
	p0 =	seq.s32 s7, s2  }
0x1e: {  	s7 =	smul.u32 @!p0 $0xF7A, s2;
	p2 =	seq.s32 @!p0 s5, $0x0  }
0x1f: {  	s9 =	smul.u32 $0xF7A, s1;
	s8 =	simm.s32 @!p0 $0x1BF5;
	p2 =	por !p2, p0  }
0x20: {  	[sflag:s8] =	ssyncset.s32 @!p0 $0xFFFFF086;
	s6 =	sadd.s32 @!p0 s3, s7;
	s7 =	simm.s32 @!p0 $0x108  }
0x21: {  	s3 =	sadd.s32 s3, s9;
	s6 =	sadd.s32 @!p0 $0x88, s6;
	s7 =	simm.s32 @p2 $0x1082  }
0x22: {  	[simem:s7], [sflag:s8] =	dma.local @!p0 [hbm:s6], $0xF7A  }
0x23: {  	s9 =	sor.u32 $0xD0000000, s2;
	s6 =	simm.s32 $0x108;
	_ =	swait.ge @!p0 [sflag:s8], $0x0  }
0x24: {  	s3 =	sadd.s32 $0x88, s3;
	s6 =	simm.s32 @!p1 $0x1082;
	[sflag:s4] =	ssyncset.s32 $0xFFFFF086  }
0x25: {  	[simem:s6], [sflag:s4] =	dma.local [hbm:s3], $0xF7A  }
0x26: {  	[smem:$0x3F9D] =	sst s1;
	(tag) =	ssettag s2;
	_ =	strace s9  }
0x27: {  	s1 =	sld [smem:$0x3FAD]  }
0x28: {  	s2 =	sld [smem:$0x3FAE]  }
0x29: {  	s4 =	sld [smem:$0x3FB0]  }
0x2a: {  	p0 =	seq.s32 s5, $0x0;
	s5 =	sld [smem:$0x3FB1]  }
0x2b: {  	s6 =	sld [smem:$0x3FB2]  }
0x2c: {  	s7 =	sld [smem:$0x3FB3]  }
0x2d: {  	s3 =	simm.s32 $0x108;
	s8 =	sld [smem:$0x3FB4]  }
0x2e: {  	s3 =	simm.s32 @!p0 $0x1082;
	s9 =	sld [smem:$0x3FB5]  }
0x2f: {  	lr =	sadd.s32 s0, s3;
	s0 =	sld [smem:$0x3FAC]  }
0x30: {  	s3 =	sld [smem:$0x3FAF]  }
0x31: {  	[smem:$0x3FB8] =	sst s10  }
0x32: {  	s10 =	sld [smem:$0x3FB6];
	_ =	sdelay $0x3  }
0x33: {  	p0 =	seq.s32 s10, $0x1;
	s10 =	sld [smem:$0x3FB8];
	_ =	sdelay $0x3  }
0x34: {  	[smem:$0x3FB8] =	sst s10  }
0x35: {  	s10 =	sld [smem:$0x3FB7];
	_ =	sdelay $0x3  }
0x36: {  	p1 =	seq.s32 s10, $0x1;
	s10 =	sld [smem:$0x3FB8];
	_ =	sdelay $0x3  }
0x37: {  	[smem:$0x3FB8] =	sst s10  }
0x38: {  	s10 =	sld [smem:$0x3FB9]  }
0x39: {  	_ = 	snop;
	(pc) =	sbr.ind lr, $3  }
0x3a: {  	_ = 	snop  }
0x3b: {  	_ = 	snop  }
0x3c: {  	p2 =	seq.s32 s10, $0x1;
	s10 =	sld [smem:$0x3FB8]  }
0x3d: {  	_ =	shalt  }
0x3e: {  	_ =	shalt  }
0x3f: {  	_ =	shalt  }
0x40: {  	_ =	shalt  }
0x41: {  	_ =	shalt  }
0x42: {  	_ =	shalt  }
0x43: {  	_ =	shalt  }
0x44: {  	_ =	shalt  }
0x45: {  	_ =	shalt  }
0x46: {  	_ =	shalt  }
0x47: {  	_ =	shalt  }
0x48: {  	_ =	shalt  }
0x49: {  	_ =	shalt  }
0x4a: {  	_ =	shalt  }
0x4b: {  	_ =	shalt  }
0x4c: {  	_ =	shalt  }
0x4d: {  	_ =	shalt  }
0x4e: {  	_ =	shalt  }
0x4f: {  	_ =	shalt  }
0x50: {  	_ =	shalt  }
0x51: {  	_ =	shalt  }
0x52: {  	_ =	shalt  }
0x53: {  	_ =	shalt  }
0x54: {  	_ =	shalt  }
0x55: {  	_ =	shalt  }
0x56: {  	_ =	shalt  }
0x57: {  	_ =	shalt  }
0x58: {  	_ =	shalt  }
0x59: {  	_ =	shalt  }
0x5a: {  	_ =	shalt  }
0x5b: {  	_ =	shalt  }
0x5c: {  	_ =	shalt  }
0x5d: {  	_ =	shalt  }
0x5e: {  	_ =	shalt  }
0x5f: {  	_ =	shalt  }
0x60: {  	_ =	shalt  }
0x61: {  	_ =	shalt  }
0x62: {  	_ =	shalt  }
0x63: {  	_ =	shalt  }
0x64: {  	_ =	shalt  }
0x65: {  	_ =	shalt  }
0x66: {  	_ =	shalt  }
0x67: {  	_ =	shalt  }
0x68: {  	_ =	shalt  }
0x69: {  	_ =	shalt  }
0x6a: {  	_ =	shalt  }
0x6b: {  	_ =	shalt  }
0x6c: {  	_ =	shalt  }
0x6d: {  	_ =	shalt  }
0x6e: {  	_ =	shalt  }
0x6f: {  	_ =	shalt  }
0x70: {  	_ =	shalt  }
0x71: {  	_ =	shalt  }
0x72: {  	_ =	shalt  }
0x73: {  	_ =	shalt  }
0x74: {  	_ =	shalt  }
0x75: {  	_ =	shalt  }
0x76: {  	_ =	shalt  }
0x77: {  	_ =	shalt  }
0x78: {  	_ =	shalt  }
0x79: {  	_ =	shalt  }
0x7a: {  	_ =	shalt  }
0x7b: {  	_ =	shalt  }
0x7c: {  	_ =	shalt  }
0x7d: {  	_ =	shalt  }
0x7e: {  	_ =	shalt  }
0x7f: {  	_ =	shalt  }
0x80: {  	_ =	shalt  }
0x81: {  	_ =	shalt  }
0x82: {  	_ =	shalt  }
0x83: {  	_ =	shalt  }
0x84: {  	_ =	shalt  }
0x85: {  	_ =	shalt  }
0x86: {  	_ =	shalt  }
0x87: {  	_ =	shalt  }
.Lfunc_end0:
.L_simem_size_0:
called_computation_lowered:
.L_overlay_start_0:
0x88: {  	s2 =	sld [smem:$0x3FD9]  }
0x89: {  	s3 =	sld [smem:$0x3FFE];
	_ =	sdelay $0x1  }
0x8a: {  	s1 =	srdreg.scid  }
0x8b: {  	s0 =	sand.u32 $0x1, s1  }
0x8c: {  	s17 =	sshll.u32 s0, $0xA;
	s2 =	sadd.s32 s3, s2  }
0x8d: {  	s2 =	sadd.s32 s2, s17  }
0x8e: {  	[smem:$0x3FC4] =	sst s2  }
0x8f: {  	_ = 	snop  }
0x90: {  	s2 =	sld [smem:$0x3FC9]  }
0x91: {  	s18 =	sld [smem:$0x3FD0];
	(tm) =	ssettm $0x1  }
0x92: {  	s4 =	sld [smem:$0x3FFB];
	_ =	sdelay $0x3  }
0x93: {  	_ =	strace s4  }
0x94: {  	s4 =	sld [smem:$0x3FFC];
	_ =	sdelay $0x3  }
0x95: {  	_ =	strace s4  }
0x96: {  	s4 =	sld [smem:$0x3FFD];
	_ =	sdelay $0x3  }
0x97: {  	_ =	strace s4  }
0x98: {  	_ =	strace $0x8FFFFFFF  }
0x99: {  	s19 =	sld [smem:$0x3FDB];
	_ =	sdelay $0x1  }
0x9a: {  	s5 =	simm.s32 $_scs_section_size  }
0x9b: {  	s6 =	simm.s32 $_size__tile_overlayer_lowered;
	s7 =	simm.s32 $_tile_overlayer_lowered  }
0x9c: {  	s22 =	simm.s32 $0x1BFF;
	s21 =	sshll.u32 s7, $0x1;
	s4 =	sadd.s32 s5, s19  }
0x9d: {  	s8 =	simm.s32 $0x0;
	s20 =	sshll.u32 s6, $0x1;
	s6 =	sadd.s32 s21, s4  }
0x9e: {  	[timem:s8], [sflag:s22] =	dma.local [hbm:s6], s20  }
0x9f: {  	_ =	swait.ge [sflag:s22], s20  }
0xa0: {  	s5 =	ssub.s32 $0x0, s20;
	[sflag:s22] =	ssyncset.done $0x0  }
0xa1: {  	[sflag:s22] =	ssyncadd.s32 s5;
	_ =	sdelay $0x1  }
0xa2: {  	s23 =	simm.s32 $0x1B8B  }
0xa3: {  	_ =	swait.ge [sflag:s23], $0x1  }
0xa4: {  	[sflag:s23] =	ssyncset.done $0x0  }
0xa5: {  	s25 =	simm.s32 $0x1B8E;
	s24 =	sld [smem:$0x3FFE];
	[sflag:s23] =	ssyncadd.s32 $0xFFFFFFFF  }
0xa6: {  	s26 =	simm.s32 $execute0_lowered;
	[smem:$0x3FD2] =	sst s25  }
0xa7: {  	s6 =	sshll.u32 s26, $0x1;
	_ =	strace $0x80000046;
	[dreg:$0x1] =	wrdreg $0xFFFFFFFF  }
0xa8: {  	s28 =	simm.s32 $_size_execute0_lowered;
	s4 =	sadd.s32 s4, s6;
	[dreg:$0x0] =	wrdreg $0x0  }
0xa9: {  	s6 =	sshll.u32 s28, $0x1;
	[dreg:$0x2] =	wrdreg s4  }
0xaa: {  	[dreg:$0x3] =	wrdreg s6  }
0xab: {  	[dreg:$0x4] =	wrdreg $0xC0  }
0xac: {  	_ =	task [dreg:s8], $0x5FFFF  }
0xad: {  	[dreg:$0x1] =	wrdreg $0xFFFFFFFF  }
0xae: {  	[dreg:$0x0] =	wrdreg $0x60  }
0xaf: {  	[dreg:$0x2] =	wrdreg s24  }
0xb0: {  	[dreg:$0x3] =	wrdreg s2  }
0xb1: {  	[dreg:$0x4] =	wrdreg s18  }
0xb2: {  	[dreg:$0x5] =	wrdreg $0x9  }
0xb3: {  	_ =	task.clear_ibuf [dreg:s8], $0x6FFFF;
	_ =	strace $0x90000046  }
0xb4: {  	s29 =	simm.s32 $0x9;
	_ =	strace $0x80000048  }
0xb5: {  	_ =	swait.ge [sflag:s29], $0x1  }
0xb6: {  	[sflag:s29] =	ssyncadd.s32 $0xFFFFFFFF  }
0xb7: {  	_ =	strace $0x90000048  }
0xb8: {  	_ =	sfence  }
0xb9: {  	s30 =	sld [smem:$0x0];
	_ =	sdelay $0x2  }
0xba: {  	s31 =	sshll.u32 s1, $0xD;
	s1 =	sshrl.u32 s1, $0x2  }
0xbb: {  	s3 =	sand.u32 $0x4000, s31;
	s1 =	sadd.s32 s1, s30  }
0xbc: {  	s0 =	sor.u32 s3, s0;
	s1 =	sshll.u32 s1, $0x11  }
0xbd: {  	s0 =	sor.u32 s1, s0  }
0xbe: {  	s0 =	sadd.s32 $0x8F2B, s0  }
0xbf: {  	[sflag:s0] =	ssyncadd.remote.s32 $0x1  }
0xc0: {  	_ =	sfence.sel $0xFFFF  }
0xc1: {  	[dreg:$0x0] =	wrdreg $0xFFFFFFFF;
	(pc) =	sbr.abs _section_cstart, $3  }
0xc2: {  	[dreg:$0x1] =	wrdreg $0xFFFFFFFF  }
0xc3: {  	_ =	task.clear_ibuf [dreg:s8], $0x2FFFF;
	_ =	strace $0x9FFFFFFF  }
0xc4: {  	(tm) =	ssettm $0x7FFFFFFF  }
0xc5: {  	_ =	shalt  }
tec
execute0_lowered:
.L_overlay_start_1:
0x0: {  	(tag) =	ssettag $0x1  }
0x1: {  	s0 =	rddreg [dreg:$0x0]  }
0x2: {  	s1 =	rddreg [dreg:$0x1]  }
0x3: {  	s5 =	rddreg [dreg:$0x2];
	s3 =	srdreg.scid;
	s2 =	simm.s32 $0x0  }
0x4: {  	s9 =	stileid.u32;
	s29 =	simm.s32 $0x12000;
	s30 =	simm.s32 $0x3  }
0x5: {  	s28 =	simm.s32 $0x5;
	s31 =	simm.s32 $0x8;
	s6 =	sand.u32 $0x1, s3  }
0x6: {  	[smem:$0x7FF] =	sst s2;
	s13 =	sshll.u32 s9, $0xE;
	s3 =	sadd.s32 $0x800, s0  }
0x7: {  	s23 =	sshll.u32 s9, $0x12;
	s9 =	simm.s32 $0x0;
	s4 =	sshll.u32 s6, $0xD  }
0x8: {  	_ =	strace $0x80000047;
	s7 =	ssub.s32 $0x2, s6;
	s4 =	sor.u32 s4, s13  }
0x9: {  	s25 =	sshll.u32 s6, $0x11;
	s8 =	sshll.u32 s4, $0x4;
	s15 =	sshrl.u32 s4, $0x3  }
0xa: {  	s6 =	simm.s32 $0xA;
	s4 =	sadd.s32 s5, s8;
	s1 =	sadd.s32 s1, s15  }
0xb: {  	s14 =	sshrl.u32 s7, $0x1;
	[dreg:$0x4] =	wrdreg s1;
	s16 =	sadd.s32 $0x800, s4  }
0xc: {  	s0 =	ssub.s32 s7, s14;
	s17 =	sadd.s32 $0x1000, s4;
	[dreg:$0x5] =	wrdreg s16  }
0xd: {  	s7 =	simm.s32 $0xB;
	s18 =	sadd.s32 $0x1800, s4;
	[dreg:$0x6] =	wrdreg s17  }
0xe: {  	s15 =	smax.u32 s0, $0x1;
	s19 =	sadd.s32 $0x2000, s4;
	[dreg:$0x7] =	wrdreg s18  }
0xf: {  	s0 =	simm.s32 $0x16000;
	s20 =	sadd.s32 $0x2800, s4;
	[dreg:$0x8] =	wrdreg s19  }
0x10: {  	s8 =	simm.s32 $0xC;
	s21 =	sadd.s32 $0x3000, s4;
	[dreg:$0x9] =	wrdreg s20  }
0x11: {  	s22 =	sadd.s32 $0x1E800, s4;
	s24 =	sadd.s32 $0x1F000, s4;
	[dreg:$0xa] =	wrdreg s21  }
0x12: {  	s1 =	sadd.s32 s23, s5;
	s14 =	sadd.s32 $0x1F800, s4;
	[dreg:$0xb] =	wrdreg s22  }
0x13: {  	s23 =	simm.s32 $0x1;
	s5 =	simm.s32 $0x9;
	[dreg:$0xc] =	wrdreg s24  }
0x14: {  	s26 =	sadd.s32 s25, s1;
	s17 =	simm.s32 $0xD;
	s18 =	simm.s32 $0x80  }
0x15: {  	s19 =	simm.s32 $0x2000;
	s20 =	simm.s32 $0x6000;
	s22 =	simm.s32 $0xA000  }
0x16: {  	s25 =	simm.s32 $0xE000;
	s1 =	simm.s32 $0x4;
	s21 =	simm.s32 $0x7  }
0x17: {  	s24 =	simm.s32 $0x6;
	s16 =	sadd.s32 $0x3800, s26;
	s26 =	simm.s32 $0x2  }
.LBB2_1:
0x18: {  	s10 =	rddreg [dreg:$0x4]  }
0x19: {  	[tilespmem:s2], [sflag:$0xD] =	stream.linear.gather [hbm4b:s10+s2], $0x2000, $0x38;
	[tilespmem:$0x1A000] =	vst v63  }
0x1a: {  	_ =	swait.ge [sflag:s17], $0x2000  }
0x1b: {  	[sflag:s17] =	ssyncset.done $0x0  }
0x1c: {  	[sflag:s17] =	ssyncadd.s32 $0xFFFFE000  }
0x1d: {  	[tilespmem:s19], [sflag:$0x1] =	stream.indirect.gather [hbm4b:s3+s18], $0x80, s2, s18, $0xb8;
	[tilespmem:$0x1A000] =	vst v63  }
0x1e: {  	_ = 	snop  }
0x1f: {  	[tilespmem:s20], [sflag:$0x2] =	stream.indirect.gather [hbm4b:s3+s18], $0x80, s18, s18, $0xb8;
	[tilespmem:$0x1A000] =	vst v63  }
0x20: {  	s11 =	simm.s32 $0x100  }
0x21: {  	[tilespmem:s22], [sflag:$0x3] =	stream.indirect.gather [hbm4b:s3+s18], $0x80, s11, s18, $0xb8;
	[tilespmem:$0x1A000] =	vst v63  }
0x22: {  	_ =	swait.ge [sflag:s23], $0x4000  }
0x23: {  	[sflag:s23] =	ssyncset.done $0x0  }
0x24: {  	[sflag:s23] =	ssyncadd.s32 $0xFFFFC000  }
0x25: {  	[hbm4b:s4+s2] =	stream.linear.scatter [tilespmem:s19], [sflag:$0x7], $0x4000, $0x38;
	[tilespmem:$0x1A000] =	vst v63  }
0x26: {  	s12 =	simm.s32 $0x180  }
0x27: {  	[tilespmem:s25], [sflag:$0x4] =	stream.indirect.gather [hbm4b:s3+s18], $0x80, s12, s18, $0xb8;
	[tilespmem:$0x1A000] =	vst v63  }
0x28: {  	_ =	swait.ge [sflag:s26], $0x4000  }
0x29: {  	[sflag:s26] =	ssyncset.done $0x0  }
0x2a: {  	s13 =	rddreg [dreg:$0x5];
	[sflag:s26] =	ssyncadd.s32 $0xFFFFC000  }
0x2b: {  	[hbm4b:s13+s2] =	stream.linear.scatter [tilespmem:s20], [sflag:$0x8], $0x4000, $0x38;
	[tilespmem:$0x1A000] =	vst v63  }
0x2c: {  	s11 =	simm.s32 $0x200  }
0x2d: {  	[tilespmem:s29], [sflag:$0x5] =	stream.indirect.gather [hbm4b:s3+s18], $0x80, s11, s18, $0xb8;
	[tilespmem:$0x1A000] =	vst v63  }
0x2e: {  	_ =	swait.ge [sflag:s30], $0x4000  }
0x2f: {  	[sflag:s30] =	ssyncset.done $0x0  }
0x30: {  	s12 =	rddreg [dreg:$0x6];
	[sflag:s30] =	ssyncadd.s32 $0xFFFFC000  }
0x31: {  	[hbm4b:s12+s2] =	stream.linear.scatter [tilespmem:s22], [sflag:$0x9], $0x4000, $0x38;
	[tilespmem:$0x1A000] =	vst v63  }
0x32: {  	s13 =	simm.s32 $0x280  }
0x33: {  	[tilespmem:s0], [sflag:$0x6] =	stream.indirect.gather [hbm4b:s3+s18], $0x80, s13, s18, $0xb8;
	[tilespmem:$0x1A000] =	vst v63  }
0x34: {  	_ =	swait.ge [sflag:s1], $0x4000  }
0x35: {  	[sflag:s1] =	ssyncset.done $0x0  }
0x36: {  	s11 =	rddreg [dreg:$0x7];
	[sflag:s1] =	ssyncadd.s32 $0xFFFFC000  }
0x37: {  	[hbm4b:s11+s2] =	stream.linear.scatter [tilespmem:s25], [sflag:$0xA], $0x4000, $0x38;
	[tilespmem:$0x1A000] =	vst v63  }
0x38: {  	_ =	swait.ge [sflag:s21], $0x4000  }
0x39: {  	[sflag:s21] =	ssyncset.done $0x0  }
0x3a: {  	s12 =	simm.s32 $0x300;
	[sflag:s21] =	ssyncadd.s32 $0xFFFFC000  }
0x3b: {  	[tilespmem:s19], [sflag:$0x1] =	stream.indirect.gather [hbm4b:s3+s18], $0x80, s12, s18, $0xb8;
	[tilespmem:$0x1A000] =	vst v63  }
0x3c: {  	_ =	swait.ge [sflag:s28], $0x4000  }
0x3d: {  	[sflag:s28] =	ssyncset.done $0x0  }
0x3e: {  	s13 =	rddreg [dreg:$0x8];
	[sflag:s28] =	ssyncadd.s32 $0xFFFFC000  }
0x3f: {  	[hbm4b:s13+s2] =	stream.linear.scatter [tilespmem:s29], [sflag:$0xB], $0x4000, $0x38;
	[tilespmem:$0x1A000] =	vst v63  }
0x40: {  	_ =	swait.ge [sflag:s31], $0x4000  }
0x41: {  	[sflag:s31] =	ssyncset.done $0x0  }
0x42: {  	s11 =	simm.s32 $0x380;
	[sflag:s31] =	ssyncadd.s32 $0xFFFFC000  }
0x43: {  	[tilespmem:s20], [sflag:$0x2] =	stream.indirect.gather [hbm4b:s3+s18], $0x80, s11, s18, $0xb8;
	[tilespmem:$0x1A000] =	vst v63  }
0x44: {  	_ =	swait.ge [sflag:s24], $0x4000  }
0x45: {  	[sflag:s24] =	ssyncset.done $0x0  }
0x46: {  	s12 =	rddreg [dreg:$0x9];
	[sflag:s24] =	ssyncadd.s32 $0xFFFFC000  }
0x47: {  	[hbm4b:s12+s2] =	stream.linear.scatter [tilespmem:s0], [sflag:$0xC], $0x4000, $0x38;
	[tilespmem:$0x1A000] =	vst v63  }
0x48: {  	_ =	swait.ge [sflag:s5], $0x4000  }
0x49: {  	[sflag:s5] =	ssyncset.done $0x0  }
0x4a: {  	s13 =	simm.s32 $0x400;
	[sflag:s5] =	ssyncadd.s32 $0xFFFFC000  }
0x4b: {  	[tilespmem:s22], [sflag:$0x3] =	stream.indirect.gather [hbm4b:s3+s18], $0x80, s13, s18, $0xb8;
	[tilespmem:$0x1A000] =	vst v63  }
0x4c: {  	_ =	swait.ge [sflag:s23], $0x4000  }
0x4d: {  	[sflag:s23] =	ssyncset.done $0x0  }
0x4e: {  	s11 =	rddreg [dreg:$0xa];
	[sflag:s23] =	ssyncadd.s32 $0xFFFFC000  }
0x4f: {  	[hbm4b:s11+s2] =	stream.linear.scatter [tilespmem:s19], [sflag:$0x7], $0x4000, $0x38;
	[tilespmem:$0x1A000] =	vst v63  }
0x50: {  	_ =	swait.ge [sflag:s6], $0x4000  }
0x51: {  	[sflag:s6] =	ssyncset.done $0x0  }
0x52: {  	s12 =	simm.s32 $0x480;
	[sflag:s6] =	ssyncadd.s32 $0xFFFFC000  }
0x53: {  	[tilespmem:s25], [sflag:$0x4] =	stream.indirect.gather [hbm4b:s3+s18], $0x80, s12, s18, $0xb8;
	[tilespmem:$0x1A000] =	vst v63  }
0x54: {  	_ =	swait.ge [sflag:s26], $0x4000  }
0x55: {  	[sflag:s26] =	ssyncset.done $0x0  }
0x56: {  	[sflag:s26] =	ssyncadd.s32 $0xFFFFC000  }
0x57: {  	[hbm4b:s16+s2] =	stream.linear.scatter [tilespmem:s20], [sflag:$0x8], $0x4000, $0x38;
	[tilespmem:$0x1A000] =	vst v63  }
0x58: {  	_ =	swait.ge [sflag:s7], $0x4000  }
0x59: {  	[sflag:s7] =	ssyncset.done $0x0  }
0x5a: {  	s13 =	simm.s32 $0x500;
	[sflag:s7] =	ssyncadd.s32 $0xFFFFC000  }
0x5b: {  	[tilespmem:s29], [sflag:$0x5] =	stream.indirect.gather [hbm4b:s3+s18], $0x80, s13, s18, $0xb8;
	[tilespmem:$0x1A000] =	vst v63  }
0x5c: {  	_ =	swait.ge [sflag:s30], $0x4000  }
0x5d: {  	[sflag:s30] =	ssyncset.done $0x0  }
0x5e: {  	s11 =	sadd.s32 $0x800, s16;
	[sflag:s30] =	ssyncadd.s32 $0xFFFFC000  }
0x5f: {  	[hbm4b:s11+s2] =	stream.linear.scatter [tilespmem:s22], [sflag:$0x9], $0x4000, $0x38;
	[tilespmem:$0x1A000] =	vst v63  }
0x60: {  	_ =	swait.ge [sflag:s8], $0x4000  }
0x61: {  	[sflag:s8] =	ssyncset.done $0x0  }
0x62: {  	s12 =	simm.s32 $0x580;
	[sflag:s8] =	ssyncadd.s32 $0xFFFFC000  }
0x63: {  	[tilespmem:s0], [sflag:$0x6] =	stream.indirect.gather [hbm4b:s3+s18], $0x80, s12, s18, $0xb8;
	[tilespmem:$0x1A000] =	vst v63  }
0x64: {  	_ =	swait.ge [sflag:s1], $0x4000  }
0x65: {  	[sflag:s1] =	ssyncset.done $0x0  }
0x66: {  	s13 =	sadd.s32 $0x1000, s16;
	[sflag:s1] =	ssyncadd.s32 $0xFFFFC000  }
0x67: {  	[hbm4b:s13+s2] =	stream.linear.scatter [tilespmem:s25], [sflag:$0xA], $0x4000, $0x38;
	[tilespmem:$0x1A000] =	vst v63  }
0x68: {  	_ =	swait.ge [sflag:s21], $0x4000  }
0x69: {  	[sflag:s21] =	ssyncset.done $0x0  }
0x6a: {  	s11 =	simm.s32 $0x600;
	[sflag:s21] =	ssyncadd.s32 $0xFFFFC000  }
0x6b: {  	[tilespmem:s19], [sflag:$0x1] =	stream.indirect.gather [hbm4b:s3+s18], $0x80, s11, s18, $0xb8;
	[tilespmem:$0x1A000] =	vst v63  }
0x6c: {  	_ =	swait.ge [sflag:s28], $0x4000  }
0x6d: {  	[sflag:s28] =	ssyncset.done $0x0  }
0x6e: {  	s12 =	sadd.s32 $0x1800, s16;
	[sflag:s28] =	ssyncadd.s32 $0xFFFFC000  }
0x6f: {  	[hbm4b:s12+s2] =	stream.linear.scatter [tilespmem:s29], [sflag:$0xB], $0x4000, $0x38;
	[tilespmem:$0x1A000] =	vst v63  }
0x70: {  	_ =	swait.ge [sflag:s31], $0x4000  }
0x71: {  	[sflag:s31] =	ssyncset.done $0x0  }
0x72: {  	s13 =	simm.s32 $0x680;
	[sflag:s31] =	ssyncadd.s32 $0xFFFFC000  }
0x73: {  	[tilespmem:s20], [sflag:$0x2] =	stream.indirect.gather [hbm4b:s3+s18], $0x80, s13, s18, $0xb8;
	[tilespmem:$0x1A000] =	vst v63  }
0x74: {  	_ =	swait.ge [sflag:s24], $0x4000  }
0x75: {  	[sflag:s24] =	ssyncset.done $0x0  }
0x76: {  	s11 =	sadd.s32 $0x2000, s16;
	[sflag:s24] =	ssyncadd.s32 $0xFFFFC000  }
0x77: {  	[hbm4b:s11+s2] =	stream.linear.scatter [tilespmem:s0], [sflag:$0xC], $0x4000, $0x38;
	[tilespmem:$0x1A000] =	vst v63  }
0x78: {  	_ =	swait.ge [sflag:s5], $0x4000  }
0x79: {  	[sflag:s5] =	ssyncset.done $0x0  }
0x7a: {  	s12 =	simm.s32 $0x700;
	[sflag:s5] =	ssyncadd.s32 $0xFFFFC000  }
0x7b: {  	[tilespmem:s22], [sflag:$0x3] =	stream.indirect.gather [hbm4b:s3+s18], $0x80, s12, s18, $0xb8;
	[tilespmem:$0x1A000] =	vst v63  }
0x7c: {  	_ =	swait.ge [sflag:s23], $0x4000  }
0x7d: {  	[sflag:s23] =	ssyncset.done $0x0  }
0x7e: {  	s13 =	sadd.s32 $0x2800, s16;
	[sflag:s23] =	ssyncadd.s32 $0xFFFFC000  }
0x7f: {  	[hbm4b:s13+s2] =	stream.linear.scatter [tilespmem:s19], [sflag:$0x7], $0x4000, $0x38;
	[tilespmem:$0x1A000] =	vst v63  }
0x80: {  	_ =	swait.ge [sflag:s6], $0x4000  }
0x81: {  	s10 =	simm.s32 $0xC00;
	[sflag:s6] =	ssyncset.done $0x0  }
0x82: {  	s11 =	sadd.s32 $0x3000, s16;
	s12 =	simm.s32 $0x780;
	[sflag:s6] =	ssyncadd.s32 $0xFFFFC000  }
.LBB2_2:
0x83: {  	[tilespmem:s25], [sflag:$0x4] =	stream.indirect.gather [hbm4b:s3+s18], $0x80, s12, s18, $0xb8;
	[tilespmem:$0x1A000] =	vst v63  }
0x84: {  	s12 =	smov.u32 s10  }
0x85: {  	p0 =	sne.s32 s10, $0x6000;
	s10 =	sadd.s32 $0xC00, s10;
	_ =	swait.ge [sflag:s26], $0x4000  }
0x86: {  	[sflag:s26] =	ssyncset.done $0x0  }
0x87: {  	[sflag:s26] =	ssyncadd.s32 $0xFFFFC000  }
0x88: {  	[hbm4b:s11+s2] =	stream.linear.scatter [tilespmem:s20], [sflag:$0x8], $0x4000, $0x38;
	[tilespmem:$0x1A000] =	vst v63  }
0x89: {  	_ =	swait.ge [sflag:s7], $0x4000  }
0x8a: {  	s12 =	sshra.s32 s12, $0x2;
	[sflag:s7] =	ssyncset.done $0x0  }
0x8b: {  	s13 =	sadd.s32 $0x500, s12;
	[sflag:s7] =	ssyncadd.s32 $0xFFFFC000  }
0x8c: {  	[tilespmem:s29], [sflag:$0x5] =	stream.indirect.gather [hbm4b:s3+s18], $0x80, s13, s18, $0xb8;
	[tilespmem:$0x1A000] =	vst v63  }
0x8d: {  	_ =	swait.ge [sflag:s30], $0x4000  }
0x8e: {  	[sflag:s30] =	ssyncset.done $0x0  }
0x8f: {  	s13 =	sadd.s32 $0x800, s11;
	[sflag:s30] =	ssyncadd.s32 $0xFFFFC000  }
0x90: {  	[hbm4b:s13+s2] =	stream.linear.scatter [tilespmem:s22], [sflag:$0x9], $0x4000, $0x38;
	[tilespmem:$0x1A000] =	vst v63  }
0x91: {  	_ =	swait.ge [sflag:s8], $0x4000  }
0x92: {  	[sflag:s8] =	ssyncset.done $0x0  }
0x93: {  	s13 =	sadd.s32 $0x580, s12;
	[sflag:s8] =	ssyncadd.s32 $0xFFFFC000  }
0x94: {  	[tilespmem:s0], [sflag:$0x6] =	stream.indirect.gather [hbm4b:s3+s18], $0x80, s13, s18, $0xb8;
	[tilespmem:$0x1A000] =	vst v63  }
0x95: {  	_ =	swait.ge [sflag:s1], $0x4000  }
0x96: {  	[sflag:s1] =	ssyncset.done $0x0  }
0x97: {  	s13 =	sadd.s32 $0x1000, s11;
	[sflag:s1] =	ssyncadd.s32 $0xFFFFC000  }
0x98: {  	[hbm4b:s13+s2] =	stream.linear.scatter [tilespmem:s25], [sflag:$0xA], $0x4000, $0x38;
	[tilespmem:$0x1A000] =	vst v63  }
0x99: {  	_ =	swait.ge [sflag:s21], $0x4000  }
0x9a: {  	[sflag:s21] =	ssyncset.done $0x0  }
0x9b: {  	s13 =	sadd.s32 $0x600, s12;
	[sflag:s21] =	ssyncadd.s32 $0xFFFFC000  }
0x9c: {  	[tilespmem:s19], [sflag:$0x1] =	stream.indirect.gather [hbm4b:s3+s18], $0x80, s13, s18, $0xb8;
	[tilespmem:$0x1A000] =	vst v63  }
0x9d: {  	_ =	swait.ge [sflag:s28], $0x4000  }
0x9e: {  	[sflag:s28] =	ssyncset.done $0x0  }
0x9f: {  	s13 =	sadd.s32 $0x1800, s11;
	[sflag:s28] =	ssyncadd.s32 $0xFFFFC000  }
0xa0: {  	[hbm4b:s13+s2] =	stream.linear.scatter [tilespmem:s29], [sflag:$0xB], $0x4000, $0x38;
	[tilespmem:$0x1A000] =	vst v63  }
0xa1: {  	_ =	swait.ge [sflag:s31], $0x4000  }
0xa2: {  	[sflag:s31] =	ssyncset.done $0x0  }
0xa3: {  	s13 =	sadd.s32 $0x680, s12;
	[sflag:s31] =	ssyncadd.s32 $0xFFFFC000  }
0xa4: {  	[tilespmem:s20], [sflag:$0x2] =	stream.indirect.gather [hbm4b:s3+s18], $0x80, s13, s18, $0xb8;
	[tilespmem:$0x1A000] =	vst v63  }
0xa5: {  	_ =	swait.ge [sflag:s24], $0x4000  }
0xa6: {  	[sflag:s24] =	ssyncset.done $0x0  }
0xa7: {  	s13 =	sadd.s32 $0x2000, s11;
	[sflag:s24] =	ssyncadd.s32 $0xFFFFC000  }
0xa8: {  	[hbm4b:s13+s2] =	stream.linear.scatter [tilespmem:s0], [sflag:$0xC], $0x4000, $0x38;
	[tilespmem:$0x1A000] =	vst v63  }
0xa9: {  	_ =	swait.ge [sflag:s5], $0x4000  }
0xaa: {  	[sflag:s5] =	ssyncset.done $0x0  }
0xab: {  	s13 =	sadd.s32 $0x700, s12;
	[sflag:s5] =	ssyncadd.s32 $0xFFFFC000  }
0xac: {  	[tilespmem:s22], [sflag:$0x3] =	stream.indirect.gather [hbm4b:s3+s18], $0x80, s13, s18, $0xb8;
	[tilespmem:$0x1A000] =	vst v63  }
0xad: {  	_ =	swait.ge [sflag:s23], $0x4000  }
0xae: {  	[sflag:s23] =	ssyncset.done $0x0  }
.Ltmp0:
0xaf: {  	s13 =	sadd.s32 $0x2800, s11;
	[sflag:s23] =	ssyncadd.s32 $0xFFFFC000;
	(pc) =	sbr.rel @p0 .LBB2_2-.Ltmp0, $4  }
0xb0: {  	[hbm4b:s13+s2] =	stream.linear.scatter [tilespmem:s19], [sflag:$0x7], $0x4000, $0x38;
	[tilespmem:$0x1A000] =	vst v63  }
0xb1: {  	_ =	swait.ge [sflag:s6], $0x4000  }
0xb2: {  	[sflag:s6] =	ssyncset.done $0x0  }
0xb3: {  	s12 =	sadd.s32 $0x780, s12;
	s11 =	sadd.s32 $0x3000, s11;
	[sflag:s6] =	ssyncadd.s32 $0xFFFFC000  }
0xb4: {  	[tilespmem:s25], [sflag:$0x4] =	stream.indirect.gather [hbm4b:s3+s18], $0x80, s12, s18, $0xb8;
	[tilespmem:$0x1A000] =	vst v63  }
0xb5: {  	_ =	swait.ge [sflag:s26], $0x4000  }
0xb6: {  	[sflag:s26] =	ssyncset.done $0x0  }
0xb7: {  	s10 =	rddreg [dreg:$0xb];
	[sflag:s26] =	ssyncadd.s32 $0xFFFFC000  }
0xb8: {  	[hbm4b:s10+s2] =	stream.linear.scatter [tilespmem:s20], [sflag:$0x8], $0x4000, $0x38;
	[tilespmem:$0x1A000] =	vst v63  }
0xb9: {  	_ =	swait.ge [sflag:s30], $0x4000  }
0xba: {  	[sflag:s30] =	ssyncset.done $0x0  }
0xbb: {  	s13 =	rddreg [dreg:$0xc];
	[sflag:s30] =	ssyncadd.s32 $0xFFFFC000  }
0xbc: {  	[hbm4b:s13+s2] =	stream.linear.scatter [tilespmem:s22], [sflag:$0x9], $0x4000, $0x38;
	[tilespmem:$0x1A000] =	vst v63  }
0xbd: {  	_ =	swait.ge [sflag:s1], $0x4000  }
0xbe: {  	[sflag:s1] =	ssyncset.done $0x0  }
0xbf: {  	[sflag:s1] =	ssyncadd.s32 $0xFFFFC000  }
0xc0: {  	[hbm4b:s14+s2] =	stream.linear.scatter [tilespmem:s25], [sflag:$0xA], $0x4000, $0x38;
	[tilespmem:$0x1A000] =	vst v63  }
0xc1: {  	_ =	swait.ge [sflag:s21], $0x4000  }
0xc2: {  	[sflag:s21] =	ssyncset.done $0x0  }
0xc3: {  	[sflag:s21] =	ssyncadd.s32 $0xFFFFC000  }
0xc4: {  	_ =	swait.ge [sflag:s31], $0x4000  }
0xc5: {  	[sflag:s31] =	ssyncset.done $0x0  }
0xc6: {  	[sflag:s31] =	ssyncadd.s32 $0xFFFFC000  }
0xc7: {  	_ =	swait.ge [sflag:s5], $0x4000  }
0xc8: {  	[sflag:s5] =	ssyncset.done $0x0  }
0xc9: {  	[sflag:s5] =	ssyncadd.s32 $0xFFFFC000  }
0xca: {  	_ =	swait.ge [sflag:s6], $0x4000  }
0xcb: {  	[sflag:s6] =	ssyncset.done $0x0  }
0xcc: {  	s9 =	sadd.s32 $0x1, s9;
	[sflag:s6] =	ssyncadd.s32 $0xFFFFC000  }
0xcd: {  	p0 =	sne.s32 s9, s15;
	_ =	swait.ge [sflag:s7], $0x4000  }
.Ltmp1:
0xce: {  	[sflag:s7] =	ssyncset.done $0x0;
	(pc) =	sbr.rel @p0 .LBB2_1-.Ltmp1, $4  }
0xcf: {  	[sflag:s7] =	ssyncadd.s32 $0xFFFFC000  }
0xd0: {  	_ =	swait.ge [sflag:s8], $0x4000  }
0xd1: {  	[sflag:s8] =	ssyncset.done $0x0  }
0xd2: {  	[sflag:s8] =	ssyncadd.s32 $0xFFFFC000  }
0xd3: {  	_ =	sfence.sel $0x180000  }
0xd4: {  	[bflag:$0x0] =	sbarrier.arrive $0xFFFF  }
0xd5: {  	_ =	strace $0x90000047  }
0xd6: {  	s0 =	stileid.u32;
	[bflag:$0x2] =	sbarrier.arrive $0xFFFF  }
0xd7: {  	p0 =	sne.s32 s0, $0x0;
	s0 =	rddreg [dreg:$0x3]  }
0xd8: {  	s0 =	sadd.s32 @!p0 $0x100000, s0  }
0xd9: {  	[sflag:s0] =	ssyncadd.tile.s32 @!p0 $0x1;
	_ =	shalt  }
.Lfunc_end2:
_tile_overlayer_lowered:
.L_overlay_start_2:
0xda: {  	(tag) =	ssettag $0x2  }
0xdb: {  	s0 =	rddreg [dreg:$0x0];
	s2 =	stileid.u32  }
0xdc: {  	s1 =	rddreg [dreg:$0x1];
	p0 =	sne.s32 s2, $0x0  }
0xdd: {  	s3 =	rddreg [dreg:$0x2];
	[bflag:$0x3] =	sbarrier.arrive $0xFFFF;
	s2 =	simm.s32 @!p0 $0x1C0D  }
0xde: {  	[timem:s3], [sflag:s2] =	dma.local @!p0 [hbm:s0], s1  }
0xdf: {  	s0 =	simm.s32 @!p0 $0xD  }
0xe0: {  	_ =	swait.ge @!p0 [sflag:s0], s1  }
0xe1: {  	s1 =	ssub.s32 @!p0 $0x0, s1;
	[sflag:s0] =	ssyncset.done @!p0 $0x0  }
0xe2: {  	[sflag:s0] =	ssyncadd.s32 @!p0 s1  }
0xe3: {  	[bflag:$0x3] =	sbarrier.arrive $0xFFFF  }
0xe4: {  	_ =	shalt  }

</sc_bundles>
